<compile_context>
chip_gen: v7x
topology: tpu7x:2x2x1
jax: 0.10.2.dev20260603
libtpu: 0.0.44.dev20260713+nightly
codegen_flags: <defaults>
</compile_context>

<pallas_src>
import jax
import jax.numpy as jnp
from jax import lax
from jax.experimental import pallas as pl
from jax.experimental.pallas import tpu as pltpu
from jax.experimental.pallas import tpu_sc as plsc

NC = 2
NS = 16
LANE = 128


def _gate_prep_body(h_ref, c_ref, W_ref, b_ref, g_ref):
    hU = lax.dot_general(h_ref[...], W_ref[...], (((1,), (1,)), ((), ())),
                         preferred_element_type=jnp.float32)
    g_ref[...] = jax.nn.sigmoid(hU + b_ref[...]) * c_ref[...]


def _apply_body(x_ref, ht_ref, cred_ref, W_ref, U_ref, b_ref, h_out, c_out):
    iou = (lax.dot_general(x_ref[...], W_ref[...], (((1,), (1,)), ((), ())),
                           preferred_element_type=jnp.float32)
           + lax.dot_general(ht_ref[...], U_ref[...], (((1,), (1,)), ((), ())),
                             preferred_element_type=jnp.float32)
           + b_ref[...])
    H = x_ref.shape[1]
    i = jax.nn.sigmoid(iou[:, :H])
    o = jax.nn.sigmoid(iou[:, H:2 * H])
    u = jnp.tanh(iou[:, 2 * H:])
    c_new = i * u + cred_ref[...]
    h_out[...] = o * jnp.tanh(c_new)
    c_out[...] = c_new


def _gate_prep(h_p, c_p, W, b, blk=512):
    n_pad, H = h_p.shape
    return pl.pallas_call(
        _gate_prep_body,
        grid=(n_pad // blk,),
        in_specs=[pl.BlockSpec((blk, H), lambda i: (i, 0)),
                  pl.BlockSpec((blk, H), lambda i: (i, 0)),
                  pl.BlockSpec((H, H), lambda i: (0, 0)),
                  pl.BlockSpec((1, H), lambda i: (0, 0))],
        out_specs=pl.BlockSpec((blk, H), lambda i: (i, 0)),
        out_shape=jax.ShapeDtypeStruct((n_pad, H), jnp.float32),
    )(h_p, c_p, W, b)


def _apply(x_p, ht, cred, W_iou, U_iou, b_iou, blk=512):
    n_pad, H = x_p.shape
    return pl.pallas_call(
        _apply_body,
        grid=(n_pad // blk,),
        in_specs=[pl.BlockSpec((blk, H), lambda i: (i, 0)),
                  pl.BlockSpec((blk, H), lambda i: (i, 0)),
                  pl.BlockSpec((blk, H), lambda i: (i, 0)),
                  pl.BlockSpec((3 * H, H), lambda i: (0, 0)),
                  pl.BlockSpec((3 * H, H), lambda i: (0, 0)),
                  pl.BlockSpec((1, 3 * H), lambda i: (0, 0))],
        out_specs=[pl.BlockSpec((blk, H), lambda i: (i, 0)),
                   pl.BlockSpec((blk, H), lambda i: (i, 0))],
        out_shape=[jax.ShapeDtypeStruct((n_pad, H), jnp.float32),
                   jax.ShapeDtypeStruct((n_pad, H), jnp.float32)],
    )(x_p, ht, cred, W_iou, U_iou, b_iou)


def _make_edge_scatter(n_pad, nb, hw):
    mesh = plsc.VectorSubcoreMesh(core_axis_name="c", subcore_axis_name="s")
    rps = n_pad // NS

    def body(t0, t1, t2, t3, srci, dsti, zeros_hbm, out,
             idx_s, idx_d, rows, acc, sem):
        cid = lax.axis_index("c")
        sid = lax.axis_index("s")
        pltpu.sync_copy(srci.at[sid], idx_s)
        pltpu.sync_copy(dsti.at[sid], idx_d)
        tables = (t0, t1, t2, t3)
        for k in range(4):
            @pl.when(cid == k // 2)
            def _chunk(tbl=tables[k], k=k):
                pltpu.sync_copy(zeros_hbm.at[pl.ds(sid * rps, rps)],
                                acc.at[pl.ds(sid * rps, rps)])
                plsc.subcore_barrier()

                def step(j, carry):
                    pltpu.async_copy(tbl.at[idx_s.at[j]], rows, sem).wait()
                    pltpu.sync_copy(rows, acc.at[idx_d.at[j]], add=True)
                    return carry

                lax.fori_loop(0, nb, step, 0)
                plsc.subcore_barrier()
                pltpu.sync_copy(acc.at[pl.ds(sid * rps, rps)],
                                out.at[k, pl.ds(sid * rps, rps)])

    return pl.kernel(
        body,
        out_type=jax.ShapeDtypeStruct((4, n_pad, hw), jnp.float32),
        mesh=mesh,
        scratch_types=[
            pltpu.VMEM((nb, LANE), jnp.int32),
            pltpu.VMEM((nb, LANE), jnp.int32),
            pltpu.VMEM((LANE, hw), jnp.float32),
            pltpu.VMEM_SHARED((n_pad, hw), jnp.float32),
            pltpu.SemaphoreType.DMA,
        ],
    )


def kernel(x, h, c, edge_index, W_iou, U_iou, b_iou, U_f_W, U_f_b):
    N, H = h.shape
    E = edge_index.shape[1]
    f32 = jnp.float32
    blk = 2560
    n_pad = -(-N // blk) * blk
    hw = H // 2
    eb = NS * LANE
    nb = -(-E // eb)
    ep = nb * eb

    h_p = jnp.zeros((n_pad, H), f32).at[:N].set(h)
    c_p = jnp.zeros((n_pad, H), f32).at[:N].set(c)
    x_p = jnp.zeros((n_pad, H), f32).at[:N].set(x)
    pad = ep - E
    src = jnp.concatenate([edge_index[0], jnp.full((pad,), N, jnp.int32)])
    dst = jnp.concatenate([edge_index[1], jnp.full((pad,), N, jnp.int32)])
    srcp = src.reshape(NS, nb, LANE)
    dstp = dst.reshape(NS, nb, LANE)

    G = _gate_prep(h_p, c_p, U_f_W, U_f_b.reshape(1, H), blk)

    t0 = h_p[:, :hw]
    t1 = h_p[:, hw:]
    t2 = G[:, :hw]
    t3 = G[:, hw:]
    zeros = jnp.zeros((n_pad, hw), f32)
    seg = _make_edge_scatter(n_pad, nb, hw)(t0, t1, t2, t3, srcp, dstp, zeros)
    h_tild = jnp.concatenate([seg[0], seg[1]], axis=1)
    c_red = jnp.concatenate([seg[2], seg[3]], axis=1)

    h_new, c_new = _apply(x_p, h_tild, c_red, W_iou, U_iou,
                          b_iou.reshape(1, 3 * H), blk)
    return h_new[:N], c_new[:N]

# --- scband reference (transcript-rebuilt; emitter-appended) ---
"""Pipeline reference for scband-child-sum-tree-lstmcell-29128468201682 (READ-ONLY COPY).

The authoritative reference and input builder live on the scoring server;
editing this copy changes nothing except your own understanding.
"""

import jax, jax.numpy as jnp
import numpy as np

N = 10000
E = 160000
X_SIZE = 256
H_SIZE = 256


def setup_inputs(seed: int = 0) -> dict:
    key = jax.random.key(seed)
    ks = jax.random.split(key, 9)
    x = jax.random.normal(ks[0], (N, X_SIZE), dtype=jnp.float32)
    h = jax.random.normal(ks[1], (N, H_SIZE), dtype=jnp.float32)
    c = jax.random.normal(ks[2], (N, H_SIZE), dtype=jnp.float32)
    edge_index = jax.random.randint(ks[3], (2, E), 0, N, dtype=jnp.int32)
    sx = 1.0 / np.sqrt(X_SIZE)
    sh = 1.0 / np.sqrt(H_SIZE)
    W_iou = jax.random.uniform(ks[4], (3 * H_SIZE, X_SIZE), dtype=jnp.float32, minval=-sx, maxval=sx)
    U_iou = jax.random.uniform(ks[5], (3 * H_SIZE, H_SIZE), dtype=jnp.float32, minval=-sh, maxval=sh)
    b_iou = jnp.zeros((1, 3 * H_SIZE), dtype=jnp.float32)
    U_f_W = jax.random.uniform(ks[6], (H_SIZE, H_SIZE), dtype=jnp.float32, minval=-sh, maxval=sh)
    U_f_b = jax.random.uniform(ks[7], (H_SIZE,), dtype=jnp.float32, minval=-sh, maxval=sh)
    return {"x": x, "h": h, "c": c, "edge_index": edge_index,
            "W_iou": W_iou, "U_iou": U_iou, "b_iou": b_iou,
            "U_f_W": U_f_W, "U_f_b": U_f_b}


def reference(x, h, c, edge_index, W_iou, U_iou, b_iou, U_f_W, U_f_b):
    src = edge_index[0]
    dst = edge_index[1]
    # message_func: gather child states along edges
    h_src = jnp.take(h, src, axis=0)            # [E, H]
    c_src = jnp.take(c, src, axis=0)            # [E, H]
    # reduce_func: child-sum of hidden states per destination node
    h_tild = jax.ops.segment_sum(h_src, dst, num_segments=N)  # [N, H]
    # per-child forget gate: f = sigmoid(U_f(h_child))
    f = jax.nn.sigmoid(h_src @ U_f_W.T + U_f_b)               # [E, H]
    # c = sum_j f_j * c_j
    c_red = jax.ops.segment_sum(f * c_src, dst, num_segments=N)  # [N, H]
    # apply_node_func: iou = W_iou(x) + U_iou(h_tild) + b_iou
    iou = x @ W_iou.T + h_tild @ U_iou.T + b_iou              # [N, 3H]
    i, o, u = jnp.split(iou, 3, axis=1)
    i = jax.nn.sigmoid(i)
    o = jax.nn.sigmoid(o)
    u = jnp.tanh(u)
    c_new = i * u + c_red
    h_new = o * jnp.tanh(c_new)
    return (h_new, c_new)

if __name__ == "__main__":
    import jax
    _d = setup_inputs()
    print(jax.jit(kernel)(*tuple(_d.values())))

</pallas_src>

<mosaic_0001>
#map = affine_map<(d0, d1) -> (0, 0)>
#map1 = affine_map<(d0, d1) -> (0, 0, 0)>
module attributes {stable_mosaic.version = 14 : i64} {
  func.func @body(%arg0: i32, %arg1: i32, %arg2: memref<10240x128xf32, #tpu.memory_space<hbm>>, %arg3: memref<10240x128xf32, #tpu.memory_space<hbm>>, %arg4: memref<10240x128xf32, #tpu.memory_space<hbm>>, %arg5: memref<10240x128xf32, #tpu.memory_space<hbm>>, %arg6: memref<16x79x128xi32, #tpu.memory_space<hbm>>, %arg7: memref<16x79x128xi32, #tpu.memory_space<hbm>>, %arg8: memref<10240x128xf32, #tpu.memory_space<hbm>>, %arg9: memref<4x10240x128xf32, #tpu.memory_space<hbm>>, %arg10: memref<79x128xi32, #tpu.memory_space<vmem>>, %arg11: memref<79x128xi32, #tpu.memory_space<vmem>>, %arg12: memref<128x128xf32, #tpu.memory_space<vmem>>, %arg13: memref<10240x128xf32, #tpu.memory_space<vmem_shared>>, %arg14: memref<!tpu.dma_semaphore, #tpu.memory_space<semaphore_mem>>) attributes {dimension_semantics = [#tpu.dimension_semantics<core_parallel>, #tpu.dimension_semantics<subcore_parallel>], iteration_bounds = array<i64: 2, 16>, scalar_prefetch = 0 : i64, scratch_operands = 5 : i64, tpu.core_type = #tpu.core_type<sc_vector_subcore>, window_params = [{transform_indices = #map}, {transform_indices = #map}, {transform_indices = #map}, {transform_indices = #map}, {transform_indices = #map1}, {transform_indices = #map1}, {transform_indices = #map}, {transform_indices = #map1}]} {
    "tpu.region"() ({
      %run_scoped3A = tpu.sem_alloc : memref<!tpu.dma_semaphore, #tpu.memory_space<semaphore_mem>>
      %dma_start3A = arith.constant 0 : i32
      %dma_start3A_17 = arith.constant 0 : i32
      %dma_start3A_18 = tpu.memref_slice %arg6[%arg1, %dma_start3A, %dma_start3A_17] : memref<16x79x128xi32, #tpu.memory_space<hbm>> -> memref<1x79x128xi32, #tpu.memory_space<hbm>>
      %dma_start3A_19 = tpu.memref_squeeze %dma_start3A_18 : memref<1x79x128xi32, #tpu.memory_space<hbm>> -> memref<79x128xi32, #tpu.memory_space<hbm>>
      %dma_start3A_20 = arith.constant 0 : i32
      %dma_start3A_21 = arith.constant 0 : i32
      %dma_start3A_22 = tpu.memref_slice %arg6[%arg1, %dma_start3A_20, %dma_start3A_21] : memref<16x79x128xi32, #tpu.memory_space<hbm>> -> memref<1x79x128xi32, #tpu.memory_space<hbm>>
      %dma_start3A_23 = tpu.memref_squeeze %dma_start3A_22 : memref<1x79x128xi32, #tpu.memory_space<hbm>> -> memref<79x128xi32, #tpu.memory_space<hbm>>
      tpu.enqueue_dma source(%dma_start3A_23 : memref<79x128xi32, #tpu.memory_space<hbm>>) target(%arg10 : memref<79x128xi32, #tpu.memory_space<vmem>>) target_semaphore(%run_scoped3A : memref<!tpu.dma_semaphore, #tpu.memory_space<semaphore_mem>>)
      %dma_wait3A = arith.constant 0 : i32
      %dma_wait3A_24 = arith.constant 0 : i32
      %dma_wait3A_25 = tpu.memref_slice %arg6[%arg1, %dma_wait3A, %dma_wait3A_24] : memref<16x79x128xi32, #tpu.memory_space<hbm>> -> memref<1x79x128xi32, #tpu.memory_space<hbm>>
      %dma_wait3A_26 = tpu.memref_squeeze %dma_wait3A_25 : memref<1x79x128xi32, #tpu.memory_space<hbm>> -> memref<79x128xi32, #tpu.memory_space<hbm>>
      %dma_wait3A_27 = arith.constant 0 : i32
      %dma_wait3A_28 = arith.constant 0 : i32
      %dma_wait3A_29 = tpu.memref_slice %arg6[%arg1, %dma_wait3A_27, %dma_wait3A_28] : memref<16x79x128xi32, #tpu.memory_space<hbm>> -> memref<1x79x128xi32, #tpu.memory_space<hbm>>
      %dma_wait3A_30 = tpu.memref_squeeze %dma_wait3A_29 : memref<1x79x128xi32, #tpu.memory_space<hbm>> -> memref<79x128xi32, #tpu.memory_space<hbm>>
      tpu.wait_dma2 semaphore(%run_scoped3A : memref<!tpu.dma_semaphore, #tpu.memory_space<semaphore_mem>>) src(%dma_wait3A_30 : memref<79x128xi32, #tpu.memory_space<hbm>>) dst(%arg10 : memref<79x128xi32, #tpu.memory_space<vmem>>)
      tpu.yield
    }) : () -> ()
    "tpu.region"() ({
      %run_scoped3A = tpu.sem_alloc : memref<!tpu.dma_semaphore, #tpu.memory_space<semaphore_mem>>
      %dma_start3A = arith.constant 0 : i32
      %dma_start3A_17 = arith.constant 0 : i32
      %dma_start3A_18 = tpu.memref_slice %arg7[%arg1, %dma_start3A, %dma_start3A_17] : memref<16x79x128xi32, #tpu.memory_space<hbm>> -> memref<1x79x128xi32, #tpu.memory_space<hbm>>
      %dma_start3A_19 = tpu.memref_squeeze %dma_start3A_18 : memref<1x79x128xi32, #tpu.memory_space<hbm>> -> memref<79x128xi32, #tpu.memory_space<hbm>>
      %dma_start3A_20 = arith.constant 0 : i32
      %dma_start3A_21 = arith.constant 0 : i32
      %dma_start3A_22 = tpu.memref_slice %arg7[%arg1, %dma_start3A_20, %dma_start3A_21] : memref<16x79x128xi32, #tpu.memory_space<hbm>> -> memref<1x79x128xi32, #tpu.memory_space<hbm>>
      %dma_start3A_23 = tpu.memref_squeeze %dma_start3A_22 : memref<1x79x128xi32, #tpu.memory_space<hbm>> -> memref<79x128xi32, #tpu.memory_space<hbm>>
      tpu.enqueue_dma source(%dma_start3A_23 : memref<79x128xi32, #tpu.memory_space<hbm>>) target(%arg11 : memref<79x128xi32, #tpu.memory_space<vmem>>) target_semaphore(%run_scoped3A : memref<!tpu.dma_semaphore, #tpu.memory_space<semaphore_mem>>)
      %dma_wait3A = arith.constant 0 : i32
      %dma_wait3A_24 = arith.constant 0 : i32
      %dma_wait3A_25 = tpu.memref_slice %arg7[%arg1, %dma_wait3A, %dma_wait3A_24] : memref<16x79x128xi32, #tpu.memory_space<hbm>> -> memref<1x79x128xi32, #tpu.memory_space<hbm>>
      %dma_wait3A_26 = tpu.memref_squeeze %dma_wait3A_25 : memref<1x79x128xi32, #tpu.memory_space<hbm>> -> memref<79x128xi32, #tpu.memory_space<hbm>>
      %dma_wait3A_27 = arith.constant 0 : i32
      %dma_wait3A_28 = arith.constant 0 : i32
      %dma_wait3A_29 = tpu.memref_slice %arg7[%arg1, %dma_wait3A_27, %dma_wait3A_28] : memref<16x79x128xi32, #tpu.memory_space<hbm>> -> memref<1x79x128xi32, #tpu.memory_space<hbm>>
      %dma_wait3A_30 = tpu.memref_squeeze %dma_wait3A_29 : memref<1x79x128xi32, #tpu.memory_space<hbm>> -> memref<79x128xi32, #tpu.memory_space<hbm>>
      tpu.wait_dma2 semaphore(%run_scoped3A : memref<!tpu.dma_semaphore, #tpu.memory_space<semaphore_mem>>) src(%dma_wait3A_30 : memref<79x128xi32, #tpu.memory_space<hbm>>) dst(%arg11 : memref<79x128xi32, #tpu.memory_space<vmem>>)
      tpu.yield
    }) : () -> ()
    %eq3A = arith.constant 0 : i32
    %eq3A_0 = arith.cmpi eq, %arg0, %eq3A : i32
    %convert_element_type3A = arith.extui %eq3A_0 : i1 to i32
    %cond3A = arith.constant 0 : i32
    %cond3A_1 = arith.cmpi ne, %convert_element_type3A, %cond3A : i32
    scf.if %cond3A_1 {
      %mul3A = arith.constant 640 : i32
      %mul3A_17 = arith.muli %arg1, %mul3A : i32
      %mul3A_18 = arith.constant 640 : i32
      %mul3A_19 = arith.muli %arg1, %mul3A_18 : i32
      "tpu.region"() ({
        %run_scoped3A_30 = tpu.sem_alloc : memref<!tpu.dma_semaphore, #tpu.memory_space<semaphore_mem>>
        %dma_start3A = arith.constant 0 : i32
        %dma_start3A_31 = tpu.memref_slice %arg13[%mul3A_19, %dma_start3A] : memref<10240x128xf32, #tpu.memory_space<vmem_shared>> -> memref<640x128xf32, #tpu.memory_space<vmem_shared>>
        %dma_start3A_32 = arith.constant 0 : i32
        %dma_start3A_33 = tpu.memref_slice %arg8[%mul3A_17, %dma_start3A_32] : memref<10240x128xf32, #tpu.memory_space<hbm>> -> memref<640x128xf32, #tpu.memory_space<hbm>>
        tpu.enqueue_dma source(%dma_start3A_33 : memref<640x128xf32, #tpu.memory_space<hbm>>) target(%dma_start3A_31 : memref<640x128xf32, #tpu.memory_space<vmem_shared>>) target_semaphore(%run_scoped3A_30 : memref<!tpu.dma_semaphore, #tpu.memory_space<semaphore_mem>>)
        %dma_wait3A = arith.constant 0 : i32
        %dma_wait3A_34 = tpu.memref_slice %arg13[%mul3A_19, %dma_wait3A] : memref<10240x128xf32, #tpu.memory_space<vmem_shared>> -> memref<640x128xf32, #tpu.memory_space<vmem_shared>>
        %dma_wait3A_35 = arith.constant 0 : i32
        %dma_wait3A_36 = tpu.memref_slice %arg8[%mul3A_17, %dma_wait3A_35] : memref<10240x128xf32, #tpu.memory_space<hbm>> -> memref<640x128xf32, #tpu.memory_space<hbm>>
        tpu.wait_dma2 semaphore(%run_scoped3A_30 : memref<!tpu.dma_semaphore, #tpu.memory_space<semaphore_mem>>) src(%dma_wait3A_36 : memref<640x128xf32, #tpu.memory_space<hbm>>) dst(%dma_wait3A_34 : memref<640x128xf32, #tpu.memory_space<vmem_shared>>)
        tpu.yield
      }) : () -> ()
      %barrier3A = arith.constant 0 : index
      tpu.barrier barrier_id(%barrier3A)
      %scan3A = arith.constant 0 : i32
      %scan3A_20 = arith.constant 0 : i32
      %scan3A_21 = arith.constant 79 : i32
      %scan3A_22 = arith.addi %scan3A_20, %scan3A_21 : i32
      %scan3A_23 = arith.constant 1 : i32
      scf.for %scan3A_30 = %scan3A_20 to %scan3A_22 step %scan3A_23  : i32 {
        %dma_start3A = arith.constant 0 : i32
        %dma_start3A_31 = tpu.memref_slice %arg10[%scan3A_30, %dma_start3A] : memref<79x128xi32, #tpu.memory_space<vmem>> -> memref<1x128xi32, #tpu.memory_space<vmem>>
        %dma_start3A_32 = tpu.memref_squeeze %dma_start3A_31 : memref<1x128xi32, #tpu.memory_space<vmem>> -> memref<128xi32, #tpu.memory_space<vmem>>
        %dma_start3A_33 = arith.constant 0 : i32
        %dma_start3A_34 = arith.constant 0 : i32
        %dma_start3A_35 = tpu.memref_slice %arg2[%dma_start3A_33, %dma_start3A_34] : memref<10240x128xf32, #tpu.memory_space<hbm>> -> memref<10240x128xf32, #tpu.memory_space<hbm>>
        tpu.enqueue_indirect_dma source(%dma_start3A_35 : memref<10240x128xf32, #tpu.memory_space<hbm>>) target(%arg12 : memref<128x128xf32, #tpu.memory_space<vmem>>) offsets(%dma_start3A_32 : memref<128xi32, #tpu.memory_space<vmem>>) semaphore(%arg14 : memref<!tpu.dma_semaphore, #tpu.memory_space<semaphore_mem>>)
        %dma_wait3A = arith.constant 0 : i32
        %dma_wait3A_36 = tpu.memref_slice %arg10[%scan3A_30, %dma_wait3A] : memref<79x128xi32, #tpu.memory_space<vmem>> -> memref<1x128xi32, #tpu.memory_space<vmem>>
        %dma_wait3A_37 = tpu.memref_squeeze %dma_wait3A_36 : memref<1x128xi32, #tpu.memory_space<vmem>> -> memref<128xi32, #tpu.memory_space<vmem>>
        %dma_wait3A_38 = arith.constant 0 : i32
        %dma_wait3A_39 = arith.constant 0 : i32
        %dma_wait3A_40 = tpu.memref_slice %arg2[%dma_wait3A_38, %dma_wait3A_39] : memref<10240x128xf32, #tpu.memory_space<hbm>> -> memref<10240x128xf32, #tpu.memory_space<hbm>>
        tpu.wait_indirect_dma semaphore(%arg14 : memref<!tpu.dma_semaphore, #tpu.memory_space<semaphore_mem>>) src(%dma_wait3A_40 : memref<10240x128xf32, #tpu.memory_space<hbm>>) dst(%arg12 : memref<128x128xf32, #tpu.memory_space<vmem>>)
        "tpu.region"() ({
          %run_scoped3A_41 = tpu.sem_alloc : memref<!tpu.dma_semaphore, #tpu.memory_space<semaphore_mem>>
          %dma_start3A_42 = arith.constant 0 : i32
          %dma_start3A_43 = tpu.memref_slice %arg11[%scan3A_30, %dma_start3A_42] : memref<79x128xi32, #tpu.memory_space<vmem>> -> memref<1x128xi32, #tpu.memory_space<vmem>>
          %dma_start3A_44 = tpu.memref_squeeze %dma_start3A_43 : memref<1x128xi32, #tpu.memory_space<vmem>> -> memref<128xi32, #tpu.memory_space<vmem>>
          %dma_start3A_45 = arith.constant 0 : i32
          %dma_start3A_46 = arith.constant 0 : i32
          %dma_start3A_47 = tpu.memref_slice %arg13[%dma_start3A_45, %dma_start3A_46] : memref<10240x128xf32, #tpu.memory_space<vmem_shared>> -> memref<10240x128xf32, #tpu.memory_space<vmem_shared>>
          tpu.enqueue_indirect_dma source(%arg12 : memref<128x128xf32, #tpu.memory_space<vmem>>) target(%dma_start3A_47 : memref<10240x128xf32, #tpu.memory_space<vmem_shared>>) offsets(%dma_start3A_44 : memref<128xi32, #tpu.memory_space<vmem>>) semaphore(%run_scoped3A_41 : memref<!tpu.dma_semaphore, #tpu.memory_space<semaphore_mem>>) {add = true}
          %dma_wait3A_48 = arith.constant 0 : i32
          %dma_wait3A_49 = tpu.memref_slice %arg11[%scan3A_30, %dma_wait3A_48] : memref<79x128xi32, #tpu.memory_space<vmem>> -> memref<1x128xi32, #tpu.memory_space<vmem>>
          %dma_wait3A_50 = tpu.memref_squeeze %dma_wait3A_49 : memref<1x128xi32, #tpu.memory_space<vmem>> -> memref<128xi32, #tpu.memory_space<vmem>>
          %dma_wait3A_51 = arith.constant 0 : i32
          %dma_wait3A_52 = arith.constant 0 : i32
          %dma_wait3A_53 = tpu.memref_slice %arg13[%dma_wait3A_51, %dma_wait3A_52] : memref<10240x128xf32, #tpu.memory_space<vmem_shared>> -> memref<10240x128xf32, #tpu.memory_space<vmem_shared>>
          tpu.wait_indirect_dma semaphore(%run_scoped3A_41 : memref<!tpu.dma_semaphore, #tpu.memory_space<semaphore_mem>>) src(%arg12 : memref<128x128xf32, #tpu.memory_space<vmem>>) dst(%dma_wait3A_53 : memref<10240x128xf32, #tpu.memory_space<vmem_shared>>)
          tpu.yield
        }) : () -> ()
      }
      %scan3A_24 = arith.constant 79 : i32
      %barrier3A_25 = arith.constant 0 : index
      tpu.barrier barrier_id(%barrier3A_25)
      %mul3A_26 = arith.constant 640 : i32
      %mul3A_27 = arith.muli %arg1, %mul3A_26 : i32
      %mul3A_28 = arith.constant 640 : i32
      %mul3A_29 = arith.muli %arg1, %mul3A_28 : i32
      %run_scoped3A = arith.constant 0 : i32
      "tpu.region"() ({
        %run_scoped3A_30 = tpu.sem_alloc : memref<!tpu.dma_semaphore, #tpu.memory_space<semaphore_mem>>
        %dma_start3A = arith.constant 0 : i32
        %dma_start3A_31 = tpu.memref_slice %arg9[%run_scoped3A, %mul3A_29, %dma_start3A] : memref<4x10240x128xf32, #tpu.memory_space<hbm>> -> memref<1x640x128xf32, #tpu.memory_space<hbm>>
        %dma_start3A_32 = tpu.memref_squeeze %dma_start3A_31 : memref<1x640x128xf32, #tpu.memory_space<hbm>> -> memref<640x128xf32, #tpu.memory_space<hbm>>
        %dma_start3A_33 = arith.constant 0 : i32
        %dma_start3A_34 = tpu.memref_slice %arg13[%mul3A_27, %dma_start3A_33] : memref<10240x128xf32, #tpu.memory_space<vmem_shared>> -> memref<640x128xf32, #tpu.memory_space<vmem_shared>>
        tpu.enqueue_dma source(%dma_start3A_34 : memref<640x128xf32, #tpu.memory_space<vmem_shared>>) target(%dma_start3A_32 : memref<640x128xf32, #tpu.memory_space<hbm>>) target_semaphore(%run_scoped3A_30 : memref<!tpu.dma_semaphore, #tpu.memory_space<semaphore_mem>>)
        %dma_wait3A = arith.constant 0 : i32
        %dma_wait3A_35 = tpu.memref_slice %arg9[%run_scoped3A, %mul3A_29, %dma_wait3A] : memref<4x10240x128xf32, #tpu.memory_space<hbm>> -> memref<1x640x128xf32, #tpu.memory_space<hbm>>
        %dma_wait3A_36 = tpu.memref_squeeze %dma_wait3A_35 : memref<1x640x128xf32, #tpu.memory_space<hbm>> -> memref<640x128xf32, #tpu.memory_space<hbm>>
        %dma_wait3A_37 = arith.constant 0 : i32
        %dma_wait3A_38 = tpu.memref_slice %arg13[%mul3A_27, %dma_wait3A_37] : memref<10240x128xf32, #tpu.memory_space<vmem_shared>> -> memref<640x128xf32, #tpu.memory_space<vmem_shared>>
        tpu.wait_dma2 semaphore(%run_scoped3A_30 : memref<!tpu.dma_semaphore, #tpu.memory_space<semaphore_mem>>) src(%dma_wait3A_38 : memref<640x128xf32, #tpu.memory_space<vmem_shared>>) dst(%dma_wait3A_36 : memref<640x128xf32, #tpu.memory_space<hbm>>)
        tpu.yield
      }) : () -> ()
    } else {
    }
    %eq3A_2 = arith.constant 0 : i32
    %eq3A_3 = arith.cmpi eq, %arg0, %eq3A_2 : i32
    %convert_element_type3A_4 = arith.extui %eq3A_3 : i1 to i32
    %cond3A_5 = arith.constant 0 : i32
    %cond3A_6 = arith.cmpi ne, %convert_element_type3A_4, %cond3A_5 : i32
    scf.if %cond3A_6 {
      %mul3A = arith.constant 640 : i32
      %mul3A_17 = arith.muli %arg1, %mul3A : i32
      %mul3A_18 = arith.constant 640 : i32
      %mul3A_19 = arith.muli %arg1, %mul3A_18 : i32
      "tpu.region"() ({
        %run_scoped3A_30 = tpu.sem_alloc : memref<!tpu.dma_semaphore, #tpu.memory_space<semaphore_mem>>
        %dma_start3A = arith.constant 0 : i32
        %dma_start3A_31 = tpu.memref_slice %arg13[%mul3A_19, %dma_start3A] : memref<10240x128xf32, #tpu.memory_space<vmem_shared>> -> memref<640x128xf32, #tpu.memory_space<vmem_shared>>
        %dma_start3A_32 = arith.constant 0 : i32
        %dma_start3A_33 = tpu.memref_slice %arg8[%mul3A_17, %dma_start3A_32] : memref<10240x128xf32, #tpu.memory_space<hbm>> -> memref<640x128xf32, #tpu.memory_space<hbm>>
        tpu.enqueue_dma source(%dma_start3A_33 : memref<640x128xf32, #tpu.memory_space<hbm>>) target(%dma_start3A_31 : memref<640x128xf32, #tpu.memory_space<vmem_shared>>) target_semaphore(%run_scoped3A_30 : memref<!tpu.dma_semaphore, #tpu.memory_space<semaphore_mem>>)
        %dma_wait3A = arith.constant 0 : i32
        %dma_wait3A_34 = tpu.memref_slice %arg13[%mul3A_19, %dma_wait3A] : memref<10240x128xf32, #tpu.memory_space<vmem_shared>> -> memref<640x128xf32, #tpu.memory_space<vmem_shared>>
        %dma_wait3A_35 = arith.constant 0 : i32
        %dma_wait3A_36 = tpu.memref_slice %arg8[%mul3A_17, %dma_wait3A_35] : memref<10240x128xf32, #tpu.memory_space<hbm>> -> memref<640x128xf32, #tpu.memory_space<hbm>>
        tpu.wait_dma2 semaphore(%run_scoped3A_30 : memref<!tpu.dma_semaphore, #tpu.memory_space<semaphore_mem>>) src(%dma_wait3A_36 : memref<640x128xf32, #tpu.memory_space<hbm>>) dst(%dma_wait3A_34 : memref<640x128xf32, #tpu.memory_space<vmem_shared>>)
        tpu.yield
      }) : () -> ()
      %barrier3A = arith.constant 0 : index
      tpu.barrier barrier_id(%barrier3A)
      %scan3A = arith.constant 0 : i32
      %scan3A_20 = arith.constant 0 : i32
      %scan3A_21 = arith.constant 79 : i32
      %scan3A_22 = arith.addi %scan3A_20, %scan3A_21 : i32
      %scan3A_23 = arith.constant 1 : i32
      scf.for %scan3A_30 = %scan3A_20 to %scan3A_22 step %scan3A_23  : i32 {
        %dma_start3A = arith.constant 0 : i32
        %dma_start3A_31 = tpu.memref_slice %arg10[%scan3A_30, %dma_start3A] : memref<79x128xi32, #tpu.memory_space<vmem>> -> memref<1x128xi32, #tpu.memory_space<vmem>>
        %dma_start3A_32 = tpu.memref_squeeze %dma_start3A_31 : memref<1x128xi32, #tpu.memory_space<vmem>> -> memref<128xi32, #tpu.memory_space<vmem>>
        %dma_start3A_33 = arith.constant 0 : i32
        %dma_start3A_34 = arith.constant 0 : i32
        %dma_start3A_35 = tpu.memref_slice %arg3[%dma_start3A_33, %dma_start3A_34] : memref<10240x128xf32, #tpu.memory_space<hbm>> -> memref<10240x128xf32, #tpu.memory_space<hbm>>
        tpu.enqueue_indirect_dma source(%dma_start3A_35 : memref<10240x128xf32, #tpu.memory_space<hbm>>) target(%arg12 : memref<128x128xf32, #tpu.memory_space<vmem>>) offsets(%dma_start3A_32 : memref<128xi32, #tpu.memory_space<vmem>>) semaphore(%arg14 : memref<!tpu.dma_semaphore, #tpu.memory_space<semaphore_mem>>)
        %dma_wait3A = arith.constant 0 : i32
        %dma_wait3A_36 = tpu.memref_slice %arg10[%scan3A_30, %dma_wait3A] : memref<79x128xi32, #tpu.memory_space<vmem>> -> memref<1x128xi32, #tpu.memory_space<vmem>>
        %dma_wait3A_37 = tpu.memref_squeeze %dma_wait3A_36 : memref<1x128xi32, #tpu.memory_space<vmem>> -> memref<128xi32, #tpu.memory_space<vmem>>
        %dma_wait3A_38 = arith.constant 0 : i32
        %dma_wait3A_39 = arith.constant 0 : i32
        %dma_wait3A_40 = tpu.memref_slice %arg3[%dma_wait3A_38, %dma_wait3A_39] : memref<10240x128xf32, #tpu.memory_space<hbm>> -> memref<10240x128xf32, #tpu.memory_space<hbm>>
        tpu.wait_indirect_dma semaphore(%arg14 : memref<!tpu.dma_semaphore, #tpu.memory_space<semaphore_mem>>) src(%dma_wait3A_40 : memref<10240x128xf32, #tpu.memory_space<hbm>>) dst(%arg12 : memref<128x128xf32, #tpu.memory_space<vmem>>)
        "tpu.region"() ({
          %run_scoped3A_41 = tpu.sem_alloc : memref<!tpu.dma_semaphore, #tpu.memory_space<semaphore_mem>>
          %dma_start3A_42 = arith.constant 0 : i32
          %dma_start3A_43 = tpu.memref_slice %arg11[%scan3A_30, %dma_start3A_42] : memref<79x128xi32, #tpu.memory_space<vmem>> -> memref<1x128xi32, #tpu.memory_space<vmem>>
          %dma_start3A_44 = tpu.memref_squeeze %dma_start3A_43 : memref<1x128xi32, #tpu.memory_space<vmem>> -> memref<128xi32, #tpu.memory_space<vmem>>
          %dma_start3A_45 = arith.constant 0 : i32
          %dma_start3A_46 = arith.constant 0 : i32
          %dma_start3A_47 = tpu.memref_slice %arg13[%dma_start3A_45, %dma_start3A_46] : memref<10240x128xf32, #tpu.memory_space<vmem_shared>> -> memref<10240x128xf32, #tpu.memory_space<vmem_shared>>
          tpu.enqueue_indirect_dma source(%arg12 : memref<128x128xf32, #tpu.memory_space<vmem>>) target(%dma_start3A_47 : memref<10240x128xf32, #tpu.memory_space<vmem_shared>>) offsets(%dma_start3A_44 : memref<128xi32, #tpu.memory_space<vmem>>) semaphore(%run_scoped3A_41 : memref<!tpu.dma_semaphore, #tpu.memory_space<semaphore_mem>>) {add = true}
          %dma_wait3A_48 = arith.constant 0 : i32
          %dma_wait3A_49 = tpu.memref_slice %arg11[%scan3A_30, %dma_wait3A_48] : memref<79x128xi32, #tpu.memory_space<vmem>> -> memref<1x128xi32, #tpu.memory_space<vmem>>
          %dma_wait3A_50 = tpu.memref_squeeze %dma_wait3A_49 : memref<1x128xi32, #tpu.memory_space<vmem>> -> memref<128xi32, #tpu.memory_space<vmem>>
          %dma_wait3A_51 = arith.constant 0 : i32
          %dma_wait3A_52 = arith.constant 0 : i32
          %dma_wait3A_53 = tpu.memref_slice %arg13[%dma_wait3A_51, %dma_wait3A_52] : memref<10240x128xf32, #tpu.memory_space<vmem_shared>> -> memref<10240x128xf32, #tpu.memory_space<vmem_shared>>
          tpu.wait_indirect_dma semaphore(%run_scoped3A_41 : memref<!tpu.dma_semaphore, #tpu.memory_space<semaphore_mem>>) src(%arg12 : memref<128x128xf32, #tpu.memory_space<vmem>>) dst(%dma_wait3A_53 : memref<10240x128xf32, #tpu.memory_space<vmem_shared>>)
          tpu.yield
        }) : () -> ()
      }
      %scan3A_24 = arith.constant 79 : i32
      %barrier3A_25 = arith.constant 0 : index
      tpu.barrier barrier_id(%barrier3A_25)
      %mul3A_26 = arith.constant 640 : i32
      %mul3A_27 = arith.muli %arg1, %mul3A_26 : i32
      %mul3A_28 = arith.constant 640 : i32
      %mul3A_29 = arith.muli %arg1, %mul3A_28 : i32
      %run_scoped3A = arith.constant 1 : i32
      "tpu.region"() ({
        %run_scoped3A_30 = tpu.sem_alloc : memref<!tpu.dma_semaphore, #tpu.memory_space<semaphore_mem>>
        %dma_start3A = arith.constant 0 : i32
        %dma_start3A_31 = tpu.memref_slice %arg9[%run_scoped3A, %mul3A_29, %dma_start3A] : memref<4x10240x128xf32, #tpu.memory_space<hbm>> -> memref<1x640x128xf32, #tpu.memory_space<hbm>>
        %dma_start3A_32 = tpu.memref_squeeze %dma_start3A_31 : memref<1x640x128xf32, #tpu.memory_space<hbm>> -> memref<640x128xf32, #tpu.memory_space<hbm>>
        %dma_start3A_33 = arith.constant 0 : i32
        %dma_start3A_34 = tpu.memref_slice %arg13[%mul3A_27, %dma_start3A_33] : memref<10240x128xf32, #tpu.memory_space<vmem_shared>> -> memref<640x128xf32, #tpu.memory_space<vmem_shared>>
        tpu.enqueue_dma source(%dma_start3A_34 : memref<640x128xf32, #tpu.memory_space<vmem_shared>>) target(%dma_start3A_32 : memref<640x128xf32, #tpu.memory_space<hbm>>) target_semaphore(%run_scoped3A_30 : memref<!tpu.dma_semaphore, #tpu.memory_space<semaphore_mem>>)
        %dma_wait3A = arith.constant 0 : i32
        %dma_wait3A_35 = tpu.memref_slice %arg9[%run_scoped3A, %mul3A_29, %dma_wait3A] : memref<4x10240x128xf32, #tpu.memory_space<hbm>> -> memref<1x640x128xf32, #tpu.memory_space<hbm>>
        %dma_wait3A_36 = tpu.memref_squeeze %dma_wait3A_35 : memref<1x640x128xf32, #tpu.memory_space<hbm>> -> memref<640x128xf32, #tpu.memory_space<hbm>>
        %dma_wait3A_37 = arith.constant 0 : i32
        %dma_wait3A_38 = tpu.memref_slice %arg13[%mul3A_27, %dma_wait3A_37] : memref<10240x128xf32, #tpu.memory_space<vmem_shared>> -> memref<640x128xf32, #tpu.memory_space<vmem_shared>>
        tpu.wait_dma2 semaphore(%run_scoped3A_30 : memref<!tpu.dma_semaphore, #tpu.memory_space<semaphore_mem>>) src(%dma_wait3A_38 : memref<640x128xf32, #tpu.memory_space<vmem_shared>>) dst(%dma_wait3A_36 : memref<640x128xf32, #tpu.memory_space<hbm>>)
        tpu.yield
      }) : () -> ()
    } else {
    }
    %eq3A_7 = arith.constant 1 : i32
    %eq3A_8 = arith.cmpi eq, %arg0, %eq3A_7 : i32
    %convert_element_type3A_9 = arith.extui %eq3A_8 : i1 to i32
    %cond3A_10 = arith.constant 0 : i32
    %cond3A_11 = arith.cmpi ne, %convert_element_type3A_9, %cond3A_10 : i32
    scf.if %cond3A_11 {
      %mul3A = arith.constant 640 : i32
      %mul3A_17 = arith.muli %arg1, %mul3A : i32
      %mul3A_18 = arith.constant 640 : i32
      %mul3A_19 = arith.muli %arg1, %mul3A_18 : i32
      "tpu.region"() ({
        %run_scoped3A_30 = tpu.sem_alloc : memref<!tpu.dma_semaphore, #tpu.memory_space<semaphore_mem>>
        %dma_start3A = arith.constant 0 : i32
        %dma_start3A_31 = tpu.memref_slice %arg13[%mul3A_19, %dma_start3A] : memref<10240x128xf32, #tpu.memory_space<vmem_shared>> -> memref<640x128xf32, #tpu.memory_space<vmem_shared>>
        %dma_start3A_32 = arith.constant 0 : i32
        %dma_start3A_33 = tpu.memref_slice %arg8[%mul3A_17, %dma_start3A_32] : memref<10240x128xf32, #tpu.memory_space<hbm>> -> memref<640x128xf32, #tpu.memory_space<hbm>>
        tpu.enqueue_dma source(%dma_start3A_33 : memref<640x128xf32, #tpu.memory_space<hbm>>) target(%dma_start3A_31 : memref<640x128xf32, #tpu.memory_space<vmem_shared>>) target_semaphore(%run_scoped3A_30 : memref<!tpu.dma_semaphore, #tpu.memory_space<semaphore_mem>>)
        %dma_wait3A = arith.constant 0 : i32
        %dma_wait3A_34 = tpu.memref_slice %arg13[%mul3A_19, %dma_wait3A] : memref<10240x128xf32, #tpu.memory_space<vmem_shared>> -> memref<640x128xf32, #tpu.memory_space<vmem_shared>>
        %dma_wait3A_35 = arith.constant 0 : i32
        %dma_wait3A_36 = tpu.memref_slice %arg8[%mul3A_17, %dma_wait3A_35] : memref<10240x128xf32, #tpu.memory_space<hbm>> -> memref<640x128xf32, #tpu.memory_space<hbm>>
        tpu.wait_dma2 semaphore(%run_scoped3A_30 : memref<!tpu.dma_semaphore, #tpu.memory_space<semaphore_mem>>) src(%dma_wait3A_36 : memref<640x128xf32, #tpu.memory_space<hbm>>) dst(%dma_wait3A_34 : memref<640x128xf32, #tpu.memory_space<vmem_shared>>)
        tpu.yield
      }) : () -> ()
      %barrier3A = arith.constant 0 : index
      tpu.barrier barrier_id(%barrier3A)
      %scan3A = arith.constant 0 : i32
      %scan3A_20 = arith.constant 0 : i32
      %scan3A_21 = arith.constant 79 : i32
      %scan3A_22 = arith.addi %scan3A_20, %scan3A_21 : i32
      %scan3A_23 = arith.constant 1 : i32
      scf.for %scan3A_30 = %scan3A_20 to %scan3A_22 step %scan3A_23  : i32 {
        %dma_start3A = arith.constant 0 : i32
        %dma_start3A_31 = tpu.memref_slice %arg10[%scan3A_30, %dma_start3A] : memref<79x128xi32, #tpu.memory_space<vmem>> -> memref<1x128xi32, #tpu.memory_space<vmem>>
        %dma_start3A_32 = tpu.memref_squeeze %dma_start3A_31 : memref<1x128xi32, #tpu.memory_space<vmem>> -> memref<128xi32, #tpu.memory_space<vmem>>
        %dma_start3A_33 = arith.constant 0 : i32
        %dma_start3A_34 = arith.constant 0 : i32
        %dma_start3A_35 = tpu.memref_slice %arg4[%dma_start3A_33, %dma_start3A_34] : memref<10240x128xf32, #tpu.memory_space<hbm>> -> memref<10240x128xf32, #tpu.memory_space<hbm>>
        tpu.enqueue_indirect_dma source(%dma_start3A_35 : memref<10240x128xf32, #tpu.memory_space<hbm>>) target(%arg12 : memref<128x128xf32, #tpu.memory_space<vmem>>) offsets(%dma_start3A_32 : memref<128xi32, #tpu.memory_space<vmem>>) semaphore(%arg14 : memref<!tpu.dma_semaphore, #tpu.memory_space<semaphore_mem>>)
        %dma_wait3A = arith.constant 0 : i32
        %dma_wait3A_36 = tpu.memref_slice %arg10[%scan3A_30, %dma_wait3A] : memref<79x128xi32, #tpu.memory_space<vmem>> -> memref<1x128xi32, #tpu.memory_space<vmem>>
        %dma_wait3A_37 = tpu.memref_squeeze %dma_wait3A_36 : memref<1x128xi32, #tpu.memory_space<vmem>> -> memref<128xi32, #tpu.memory_space<vmem>>
        %dma_wait3A_38 = arith.constant 0 : i32
        %dma_wait3A_39 = arith.constant 0 : i32
        %dma_wait3A_40 = tpu.memref_slice %arg4[%dma_wait3A_38, %dma_wait3A_39] : memref<10240x128xf32, #tpu.memory_space<hbm>> -> memref<10240x128xf32, #tpu.memory_space<hbm>>
        tpu.wait_indirect_dma semaphore(%arg14 : memref<!tpu.dma_semaphore, #tpu.memory_space<semaphore_mem>>) src(%dma_wait3A_40 : memref<10240x128xf32, #tpu.memory_space<hbm>>) dst(%arg12 : memref<128x128xf32, #tpu.memory_space<vmem>>)
        "tpu.region"() ({
          %run_scoped3A_41 = tpu.sem_alloc : memref<!tpu.dma_semaphore, #tpu.memory_space<semaphore_mem>>
          %dma_start3A_42 = arith.constant 0 : i32
          %dma_start3A_43 = tpu.memref_slice %arg11[%scan3A_30, %dma_start3A_42] : memref<79x128xi32, #tpu.memory_space<vmem>> -> memref<1x128xi32, #tpu.memory_space<vmem>>
          %dma_start3A_44 = tpu.memref_squeeze %dma_start3A_43 : memref<1x128xi32, #tpu.memory_space<vmem>> -> memref<128xi32, #tpu.memory_space<vmem>>
          %dma_start3A_45 = arith.constant 0 : i32
          %dma_start3A_46 = arith.constant 0 : i32
          %dma_start3A_47 = tpu.memref_slice %arg13[%dma_start3A_45, %dma_start3A_46] : memref<10240x128xf32, #tpu.memory_space<vmem_shared>> -> memref<10240x128xf32, #tpu.memory_space<vmem_shared>>
          tpu.enqueue_indirect_dma source(%arg12 : memref<128x128xf32, #tpu.memory_space<vmem>>) target(%dma_start3A_47 : memref<10240x128xf32, #tpu.memory_space<vmem_shared>>) offsets(%dma_start3A_44 : memref<128xi32, #tpu.memory_space<vmem>>) semaphore(%run_scoped3A_41 : memref<!tpu.dma_semaphore, #tpu.memory_space<semaphore_mem>>) {add = true}
          %dma_wait3A_48 = arith.constant 0 : i32
          %dma_wait3A_49 = tpu.memref_slice %arg11[%scan3A_30, %dma_wait3A_48] : memref<79x128xi32, #tpu.memory_space<vmem>> -> memref<1x128xi32, #tpu.memory_space<vmem>>
          %dma_wait3A_50 = tpu.memref_squeeze %dma_wait3A_49 : memref<1x128xi32, #tpu.memory_space<vmem>> -> memref<128xi32, #tpu.memory_space<vmem>>
          %dma_wait3A_51 = arith.constant 0 : i32
          %dma_wait3A_52 = arith.constant 0 : i32
          %dma_wait3A_53 = tpu.memref_slice %arg13[%dma_wait3A_51, %dma_wait3A_52] : memref<10240x128xf32, #tpu.memory_space<vmem_shared>> -> memref<10240x128xf32, #tpu.memory_space<vmem_shared>>
          tpu.wait_indirect_dma semaphore(%run_scoped3A_41 : memref<!tpu.dma_semaphore, #tpu.memory_space<semaphore_mem>>) src(%arg12 : memref<128x128xf32, #tpu.memory_space<vmem>>) dst(%dma_wait3A_53 : memref<10240x128xf32, #tpu.memory_space<vmem_shared>>)
          tpu.yield
        }) : () -> ()
      }
      %scan3A_24 = arith.constant 79 : i32
      %barrier3A_25 = arith.constant 0 : index
      tpu.barrier barrier_id(%barrier3A_25)
      %mul3A_26 = arith.constant 640 : i32
      %mul3A_27 = arith.muli %arg1, %mul3A_26 : i32
      %mul3A_28 = arith.constant 640 : i32
      %mul3A_29 = arith.muli %arg1, %mul3A_28 : i32
      %run_scoped3A = arith.constant 2 : i32
      "tpu.region"() ({
        %run_scoped3A_30 = tpu.sem_alloc : memref<!tpu.dma_semaphore, #tpu.memory_space<semaphore_mem>>
        %dma_start3A = arith.constant 0 : i32
        %dma_start3A_31 = tpu.memref_slice %arg9[%run_scoped3A, %mul3A_29, %dma_start3A] : memref<4x10240x128xf32, #tpu.memory_space<hbm>> -> memref<1x640x128xf32, #tpu.memory_space<hbm>>
        %dma_start3A_32 = tpu.memref_squeeze %dma_start3A_31 : memref<1x640x128xf32, #tpu.memory_space<hbm>> -> memref<640x128xf32, #tpu.memory_space<hbm>>
        %dma_start3A_33 = arith.constant 0 : i32
        %dma_start3A_34 = tpu.memref_slice %arg13[%mul3A_27, %dma_start3A_33] : memref<10240x128xf32, #tpu.memory_space<vmem_shared>> -> memref<640x128xf32, #tpu.memory_space<vmem_shared>>
        tpu.enqueue_dma source(%dma_start3A_34 : memref<640x128xf32, #tpu.memory_space<vmem_shared>>) target(%dma_start3A_32 : memref<640x128xf32, #tpu.memory_space<hbm>>) target_semaphore(%run_scoped3A_30 : memref<!tpu.dma_semaphore, #tpu.memory_space<semaphore_mem>>)
        %dma_wait3A = arith.constant 0 : i32
        %dma_wait3A_35 = tpu.memref_slice %arg9[%run_scoped3A, %mul3A_29, %dma_wait3A] : memref<4x10240x128xf32, #tpu.memory_space<hbm>> -> memref<1x640x128xf32, #tpu.memory_space<hbm>>
        %dma_wait3A_36 = tpu.memref_squeeze %dma_wait3A_35 : memref<1x640x128xf32, #tpu.memory_space<hbm>> -> memref<640x128xf32, #tpu.memory_space<hbm>>
        %dma_wait3A_37 = arith.constant 0 : i32
        %dma_wait3A_38 = tpu.memref_slice %arg13[%mul3A_27, %dma_wait3A_37] : memref<10240x128xf32, #tpu.memory_space<vmem_shared>> -> memref<640x128xf32, #tpu.memory_space<vmem_shared>>
        tpu.wait_dma2 semaphore(%run_scoped3A_30 : memref<!tpu.dma_semaphore, #tpu.memory_space<semaphore_mem>>) src(%dma_wait3A_38 : memref<640x128xf32, #tpu.memory_space<vmem_shared>>) dst(%dma_wait3A_36 : memref<640x128xf32, #tpu.memory_space<hbm>>)
        tpu.yield
      }) : () -> ()
    } else {
    }
    %eq3A_12 = arith.constant 1 : i32
    %eq3A_13 = arith.cmpi eq, %arg0, %eq3A_12 : i32
    %convert_element_type3A_14 = arith.extui %eq3A_13 : i1 to i32
    %cond3A_15 = arith.constant 0 : i32
    %cond3A_16 = arith.cmpi ne, %convert_element_type3A_14, %cond3A_15 : i32
    scf.if %cond3A_16 {
      %mul3A = arith.constant 640 : i32
      %mul3A_17 = arith.muli %arg1, %mul3A : i32
      %mul3A_18 = arith.constant 640 : i32
      %mul3A_19 = arith.muli %arg1, %mul3A_18 : i32
      "tpu.region"() ({
        %run_scoped3A_30 = tpu.sem_alloc : memref<!tpu.dma_semaphore, #tpu.memory_space<semaphore_mem>>
        %dma_start3A = arith.constant 0 : i32
        %dma_start3A_31 = tpu.memref_slice %arg13[%mul3A_19, %dma_start3A] : memref<10240x128xf32, #tpu.memory_space<vmem_shared>> -> memref<640x128xf32, #tpu.memory_space<vmem_shared>>
        %dma_start3A_32 = arith.constant 0 : i32
        %dma_start3A_33 = tpu.memref_slice %arg8[%mul3A_17, %dma_start3A_32] : memref<10240x128xf32, #tpu.memory_space<hbm>> -> memref<640x128xf32, #tpu.memory_space<hbm>>
        tpu.enqueue_dma source(%dma_start3A_33 : memref<640x128xf32, #tpu.memory_space<hbm>>) target(%dma_start3A_31 : memref<640x128xf32, #tpu.memory_space<vmem_shared>>) target_semaphore(%run_scoped3A_30 : memref<!tpu.dma_semaphore, #tpu.memory_space<semaphore_mem>>)
        %dma_wait3A = arith.constant 0 : i32
        %dma_wait3A_34 = tpu.memref_slice %arg13[%mul3A_19, %dma_wait3A] : memref<10240x128xf32, #tpu.memory_space<vmem_shared>> -> memref<640x128xf32, #tpu.memory_space<vmem_shared>>
        %dma_wait3A_35 = arith.constant 0 : i32
        %dma_wait3A_36 = tpu.memref_slice %arg8[%mul3A_17, %dma_wait3A_35] : memref<10240x128xf32, #tpu.memory_space<hbm>> -> memref<640x128xf32, #tpu.memory_space<hbm>>
        tpu.wait_dma2 semaphore(%run_scoped3A_30 : memref<!tpu.dma_semaphore, #tpu.memory_space<semaphore_mem>>) src(%dma_wait3A_36 : memref<640x128xf32, #tpu.memory_space<hbm>>) dst(%dma_wait3A_34 : memref<640x128xf32, #tpu.memory_space<vmem_shared>>)
        tpu.yield
      }) : () -> ()
      %barrier3A = arith.constant 0 : index
      tpu.barrier barrier_id(%barrier3A)
      %scan3A = arith.constant 0 : i32
      %scan3A_20 = arith.constant 0 : i32
      %scan3A_21 = arith.constant 79 : i32
      %scan3A_22 = arith.addi %scan3A_20, %scan3A_21 : i32
      %scan3A_23 = arith.constant 1 : i32
      scf.for %scan3A_30 = %scan3A_20 to %scan3A_22 step %scan3A_23  : i32 {
        %dma_start3A = arith.constant 0 : i32
        %dma_start3A_31 = tpu.memref_slice %arg10[%scan3A_30, %dma_start3A] : memref<79x128xi32, #tpu.memory_space<vmem>> -> memref<1x128xi32, #tpu.memory_space<vmem>>
        %dma_start3A_32 = tpu.memref_squeeze %dma_start3A_31 : memref<1x128xi32, #tpu.memory_space<vmem>> -> memref<128xi32, #tpu.memory_space<vmem>>
        %dma_start3A_33 = arith.constant 0 : i32
        %dma_start3A_34 = arith.constant 0 : i32
        %dma_start3A_35 = tpu.memref_slice %arg5[%dma_start3A_33, %dma_start3A_34] : memref<10240x128xf32, #tpu.memory_space<hbm>> -> memref<10240x128xf32, #tpu.memory_space<hbm>>
        tpu.enqueue_indirect_dma source(%dma_start3A_35 : memref<10240x128xf32, #tpu.memory_space<hbm>>) target(%arg12 : memref<128x128xf32, #tpu.memory_space<vmem>>) offsets(%dma_start3A_32 : memref<128xi32, #tpu.memory_space<vmem>>) semaphore(%arg14 : memref<!tpu.dma_semaphore, #tpu.memory_space<semaphore_mem>>)
        %dma_wait3A = arith.constant 0 : i32
        %dma_wait3A_36 = tpu.memref_slice %arg10[%scan3A_30, %dma_wait3A] : memref<79x128xi32, #tpu.memory_space<vmem>> -> memref<1x128xi32, #tpu.memory_space<vmem>>
        %dma_wait3A_37 = tpu.memref_squeeze %dma_wait3A_36 : memref<1x128xi32, #tpu.memory_space<vmem>> -> memref<128xi32, #tpu.memory_space<vmem>>
        %dma_wait3A_38 = arith.constant 0 : i32
        %dma_wait3A_39 = arith.constant 0 : i32
        %dma_wait3A_40 = tpu.memref_slice %arg5[%dma_wait3A_38, %dma_wait3A_39] : memref<10240x128xf32, #tpu.memory_space<hbm>> -> memref<10240x128xf32, #tpu.memory_space<hbm>>
        tpu.wait_indirect_dma semaphore(%arg14 : memref<!tpu.dma_semaphore, #tpu.memory_space<semaphore_mem>>) src(%dma_wait3A_40 : memref<10240x128xf32, #tpu.memory_space<hbm>>) dst(%arg12 : memref<128x128xf32, #tpu.memory_space<vmem>>)
        "tpu.region"() ({
          %run_scoped3A_41 = tpu.sem_alloc : memref<!tpu.dma_semaphore, #tpu.memory_space<semaphore_mem>>
          %dma_start3A_42 = arith.constant 0 : i32
          %dma_start3A_43 = tpu.memref_slice %arg11[%scan3A_30, %dma_start3A_42] : memref<79x128xi32, #tpu.memory_space<vmem>> -> memref<1x128xi32, #tpu.memory_space<vmem>>
          %dma_start3A_44 = tpu.memref_squeeze %dma_start3A_43 : memref<1x128xi32, #tpu.memory_space<vmem>> -> memref<128xi32, #tpu.memory_space<vmem>>
          %dma_start3A_45 = arith.constant 0 : i32
          %dma_start3A_46 = arith.constant 0 : i32
          %dma_start3A_47 = tpu.memref_slice %arg13[%dma_start3A_45, %dma_start3A_46] : memref<10240x128xf32, #tpu.memory_space<vmem_shared>> -> memref<10240x128xf32, #tpu.memory_space<vmem_shared>>
          tpu.enqueue_indirect_dma source(%arg12 : memref<128x128xf32, #tpu.memory_space<vmem>>) target(%dma_start3A_47 : memref<10240x128xf32, #tpu.memory_space<vmem_shared>>) offsets(%dma_start3A_44 : memref<128xi32, #tpu.memory_space<vmem>>) semaphore(%run_scoped3A_41 : memref<!tpu.dma_semaphore, #tpu.memory_space<semaphore_mem>>) {add = true}
          %dma_wait3A_48 = arith.constant 0 : i32
          %dma_wait3A_49 = tpu.memref_slice %arg11[%scan3A_30, %dma_wait3A_48] : memref<79x128xi32, #tpu.memory_space<vmem>> -> memref<1x128xi32, #tpu.memory_space<vmem>>
          %dma_wait3A_50 = tpu.memref_squeeze %dma_wait3A_49 : memref<1x128xi32, #tpu.memory_space<vmem>> -> memref<128xi32, #tpu.memory_space<vmem>>
          %dma_wait3A_51 = arith.constant 0 : i32
          %dma_wait3A_52 = arith.constant 0 : i32
          %dma_wait3A_53 = tpu.memref_slice %arg13[%dma_wait3A_51, %dma_wait3A_52] : memref<10240x128xf32, #tpu.memory_space<vmem_shared>> -> memref<10240x128xf32, #tpu.memory_space<vmem_shared>>
          tpu.wait_indirect_dma semaphore(%run_scoped3A_41 : memref<!tpu.dma_semaphore, #tpu.memory_space<semaphore_mem>>) src(%arg12 : memref<128x128xf32, #tpu.memory_space<vmem>>) dst(%dma_wait3A_53 : memref<10240x128xf32, #tpu.memory_space<vmem_shared>>)
          tpu.yield
        }) : () -> ()
      }
      %scan3A_24 = arith.constant 79 : i32
      %barrier3A_25 = arith.constant 0 : index
      tpu.barrier barrier_id(%barrier3A_25)
      %mul3A_26 = arith.constant 640 : i32
      %mul3A_27 = arith.muli %arg1, %mul3A_26 : i32
      %mul3A_28 = arith.constant 640 : i32
      %mul3A_29 = arith.muli %arg1, %mul3A_28 : i32
      %run_scoped3A = arith.constant 3 : i32
      "tpu.region"() ({
        %run_scoped3A_30 = tpu.sem_alloc : memref<!tpu.dma_semaphore, #tpu.memory_space<semaphore_mem>>
        %dma_start3A = arith.constant 0 : i32
        %dma_start3A_31 = tpu.memref_slice %arg9[%run_scoped3A, %mul3A_29, %dma_start3A] : memref<4x10240x128xf32, #tpu.memory_space<hbm>> -> memref<1x640x128xf32, #tpu.memory_space<hbm>>
        %dma_start3A_32 = tpu.memref_squeeze %dma_start3A_31 : memref<1x640x128xf32, #tpu.memory_space<hbm>> -> memref<640x128xf32, #tpu.memory_space<hbm>>
        %dma_start3A_33 = arith.constant 0 : i32
        %dma_start3A_34 = tpu.memref_slice %arg13[%mul3A_27, %dma_start3A_33] : memref<10240x128xf32, #tpu.memory_space<vmem_shared>> -> memref<640x128xf32, #tpu.memory_space<vmem_shared>>
        tpu.enqueue_dma source(%dma_start3A_34 : memref<640x128xf32, #tpu.memory_space<vmem_shared>>) target(%dma_start3A_32 : memref<640x128xf32, #tpu.memory_space<hbm>>) target_semaphore(%run_scoped3A_30 : memref<!tpu.dma_semaphore, #tpu.memory_space<semaphore_mem>>)
        %dma_wait3A = arith.constant 0 : i32
        %dma_wait3A_35 = tpu.memref_slice %arg9[%run_scoped3A, %mul3A_29, %dma_wait3A] : memref<4x10240x128xf32, #tpu.memory_space<hbm>> -> memref<1x640x128xf32, #tpu.memory_space<hbm>>
        %dma_wait3A_36 = tpu.memref_squeeze %dma_wait3A_35 : memref<1x640x128xf32, #tpu.memory_space<hbm>> -> memref<640x128xf32, #tpu.memory_space<hbm>>
        %dma_wait3A_37 = arith.constant 0 : i32
        %dma_wait3A_38 = tpu.memref_slice %arg13[%mul3A_27, %dma_wait3A_37] : memref<10240x128xf32, #tpu.memory_space<vmem_shared>> -> memref<640x128xf32, #tpu.memory_space<vmem_shared>>
        tpu.wait_dma2 semaphore(%run_scoped3A_30 : memref<!tpu.dma_semaphore, #tpu.memory_space<semaphore_mem>>) src(%dma_wait3A_38 : memref<640x128xf32, #tpu.memory_space<vmem_shared>>) dst(%dma_wait3A_36 : memref<640x128xf32, #tpu.memory_space<hbm>>)
        tpu.yield
      }) : () -> ()
    } else {
    }
    return
  }
}

module attributes {stable_mosaic.version = 14 : i64} {
  func.func @_gate_prep_body(%arg0: i32, %arg1: memref<2560x256xf32, #tpu.memory_space<vmem>>, %arg2: memref<2560x256xf32, #tpu.memory_space<vmem>>, %arg3: memref<256x256xf32, #tpu.memory_space<vmem>>, %arg4: memref<1x256xf32, #tpu.memory_space<vmem>>, %arg5: memref<2560x256xf32, #tpu.memory_space<vmem>>) attributes {dimension_semantics = [#tpu.dimension_semantics<arbitrary>], iteration_bounds = array<i64: 4>, scalar_prefetch = 0 : i64, scratch_operands = 0 : i64, tpu.core_type = #tpu.core_type<tc>, window_params = [{transform_indices = @transform_0, window_bounds = array<i64: 2560, 256>}, {transform_indices = @transform_1, window_bounds = array<i64: 2560, 256>}, {pipeline_mode = #tpu.pipeline_mode<synchronous>, transform_indices = @transform_2, window_bounds = array<i64: 256, 256>}, {pipeline_mode = #tpu.pipeline_mode<synchronous>, transform_indices = @transform_3, window_bounds = array<i64: 1, 256>}, {transform_indices = @transform_4, window_bounds = array<i64: 2560, 256>}]} {
    %get3A = arith.constant 0 : index
    %get3A_0 = arith.constant 0 : index
    %get3A_1 = vector.load %arg1[%get3A, %get3A_0] : memref<2560x256xf32, #tpu.memory_space<vmem>>, vector<2560x256xf32>
    %get3A_2 = arith.constant 0 : index
    %get3A_3 = arith.constant 0 : index
    %get3A_4 = vector.load %arg3[%get3A_2, %get3A_3] : memref<256x256xf32, #tpu.memory_space<vmem>>, vector<256x256xf32>
    %dot_general3A = arith.constant dense<0.000000e+00> : vector<2560x256xf32>
    %dot_general3A_5 = tpu.matmul %get3A_1, %get3A_4, %dot_general3A {dimension_numbers = #tpu.dot_dimension_numbers<[1], [1], [0], [0], [0, 0, 1, 0], [], []>, transpose_lhs_hint = false} : vector<2560x256xf32>, vector<256x256xf32>, vector<2560x256xf32> -> vector<2560x256xf32>
    %get3A_6 = arith.constant 0 : index
    %get3A_7 = arith.constant 0 : index
    %get3A_8 = vector.load %arg4[%get3A_6, %get3A_7] : memref<1x256xf32, #tpu.memory_space<vmem>>, vector<1x256xf32>
    %add3A = vector.broadcast %get3A_8 : vector<1x256xf32> to vector<2560x256xf32>
    %add3A_9 = arith.addf %dot_general3A_5, %add3A : vector<2560x256xf32>
    %logistic3A = arith.negf %add3A_9 : vector<2560x256xf32>
    %logistic3A_10 = math.exp %logistic3A : vector<2560x256xf32>
    %logistic3A_11 = arith.constant 1.000000e+00 : f32
    %logistic3A_12 = vector.broadcast %logistic3A_11 : f32 to vector<2560x256xf32>
    %logistic3A_13 = arith.addf %logistic3A_12, %logistic3A_10 : vector<2560x256xf32>
    %logistic3A_14 = arith.divf %logistic3A_12, %logistic3A_13 : vector<2560x256xf32>
    %get3A_15 = arith.constant 0 : index
    %get3A_16 = arith.constant 0 : index
    %get3A_17 = vector.load %arg2[%get3A_15, %get3A_16] : memref<2560x256xf32, #tpu.memory_space<vmem>>, vector<2560x256xf32>
    %mul3A = arith.mulf %logistic3A_14, %get3A_17 : vector<2560x256xf32>
    %swap3A = arith.constant 0 : index
    %swap3A_18 = arith.constant 0 : index
    %swap3A_19 = vector.load %arg5[%swap3A, %swap3A_18] : memref<2560x256xf32, #tpu.memory_space<vmem>>, vector<2560x256xf32>
    tpu.vector_store %arg5[%swap3A, %swap3A_18], %mul3A {strides = array<i32>} : memref<2560x256xf32, #tpu.memory_space<vmem>>, vector<2560x256xf32>,
    return
  }
  func.func @transform_0(%arg0: i32) -> (i32, i32) {
    %c0_i32 = arith.constant 0 : i32
    %c0_i32_0 = arith.constant 0 : i32
    return %arg0, %c0_i32 : i32, i32
  }
  func.func @transform_1(%arg0: i32) -> (i32, i32) {
    %c0_i32 = arith.constant 0 : i32
    %c0_i32_0 = arith.constant 0 : i32
    return %arg0, %c0_i32 : i32, i32
  }
  func.func @transform_2(%arg0: i32) -> (i32, i32) {
    %c0_i32 = arith.constant 0 : i32
    %c0_i32_0 = arith.constant 0 : i32
    %c0_i32_1 = arith.constant 0 : i32
    return %c0_i32, %c0_i32_0 : i32, i32
  }
  func.func @transform_3(%arg0: i32) -> (i32, i32) {
    %c0_i32 = arith.constant 0 : i32
    %c0_i32_0 = arith.constant 0 : i32
    %c0_i32_1 = arith.constant 0 : i32
    return %c0_i32, %c0_i32_0 : i32, i32
  }
  func.func @transform_4(%arg0: i32) -> (i32, i32) {
    %c0_i32 = arith.constant 0 : i32
    %c0_i32_0 = arith.constant 0 : i32
    return %arg0, %c0_i32 : i32, i32
  }
}

module attributes {stable_mosaic.version = 14 : i64} {
  func.func @_apply_body(%arg0: i32, %arg1: memref<2560x256xf32, #tpu.memory_space<vmem>>, %arg2: memref<2560x256xf32, #tpu.memory_space<vmem>>, %arg3: memref<2560x256xf32, #tpu.memory_space<vmem>>, %arg4: memref<768x256xf32, #tpu.memory_space<vmem>>, %arg5: memref<768x256xf32, #tpu.memory_space<vmem>>, %arg6: memref<1x768xf32, #tpu.memory_space<vmem>>, %arg7: memref<2560x256xf32, #tpu.memory_space<vmem>>, %arg8: memref<2560x256xf32, #tpu.memory_space<vmem>>) attributes {dimension_semantics = [#tpu.dimension_semantics<arbitrary>], iteration_bounds = array<i64: 4>, scalar_prefetch = 0 : i64, scratch_operands = 0 : i64, tpu.core_type = #tpu.core_type<tc>, window_params = [{transform_indices = @transform_0, window_bounds = array<i64: 2560, 256>}, {transform_indices = @transform_1, window_bounds = array<i64: 2560, 256>}, {transform_indices = @transform_2, window_bounds = array<i64: 2560, 256>}, {pipeline_mode = #tpu.pipeline_mode<synchronous>, transform_indices = @transform_3, window_bounds = array<i64: 768, 256>}, {pipeline_mode = #tpu.pipeline_mode<synchronous>, transform_indices = @transform_4, window_bounds = array<i64: 768, 256>}, {pipeline_mode = #tpu.pipeline_mode<synchronous>, transform_indices = @transform_5, window_bounds = array<i64: 1, 768>}, {transform_indices = @transform_6, window_bounds = array<i64: 2560, 256>}, {transform_indices = @transform_7, window_bounds = array<i64: 2560, 256>}]} {
    %get3A = arith.constant 0 : index
    %get3A_0 = arith.constant 0 : index
    %get3A_1 = vector.load %arg1[%get3A, %get3A_0] : memref<2560x256xf32, #tpu.memory_space<vmem>>, vector<2560x256xf32>
    %get3A_2 = arith.constant 0 : index
    %get3A_3 = arith.constant 0 : index
    %get3A_4 = vector.load %arg4[%get3A_2, %get3A_3] : memref<768x256xf32, #tpu.memory_space<vmem>>, vector<768x256xf32>
    %dot_general3A = arith.constant dense<0.000000e+00> : vector<2560x768xf32>
    %dot_general3A_5 = tpu.matmul %get3A_1, %get3A_4, %dot_general3A {dimension_numbers = #tpu.dot_dimension_numbers<[1], [1], [0], [0], [0, 0, 1, 0], [], []>, transpose_lhs_hint = false} : vector<2560x256xf32>, vector<768x256xf32>, vector<2560x768xf32> -> vector<2560x768xf32>
    %get3A_6 = arith.constant 0 : index
    %get3A_7 = arith.constant 0 : index
    %get3A_8 = vector.load %arg2[%get3A_6, %get3A_7] : memref<2560x256xf32, #tpu.memory_space<vmem>>, vector<2560x256xf32>
    %get3A_9 = arith.constant 0 : index
    %get3A_10 = arith.constant 0 : index
    %get3A_11 = vector.load %arg5[%get3A_9, %get3A_10] : memref<768x256xf32, #tpu.memory_space<vmem>>, vector<768x256xf32>
    %dot_general3A_12 = arith.constant dense<0.000000e+00> : vector<2560x768xf32>
    %dot_general3A_13 = tpu.matmul %get3A_8, %get3A_11, %dot_general3A_12 {dimension_numbers = #tpu.dot_dimension_numbers<[1], [1], [0], [0], [0, 0, 1, 0], [], []>, transpose_lhs_hint = false} : vector<2560x256xf32>, vector<768x256xf32>, vector<2560x768xf32> -> vector<2560x768xf32>
    %add3A = arith.addf %dot_general3A_5, %dot_general3A_13 : vector<2560x768xf32>
    %get3A_14 = arith.constant 0 : index
    %get3A_15 = arith.constant 0 : index
    %get3A_16 = vector.load %arg6[%get3A_14, %get3A_15] : memref<1x768xf32, #tpu.memory_space<vmem>>, vector<1x768xf32>
    %add3A_17 = vector.broadcast %get3A_16 : vector<1x768xf32> to vector<2560x768xf32>
    %add3A_18 = arith.addf %add3A, %add3A_17 : vector<2560x768xf32>
    %slice3A = vector.extract_strided_slice %add3A_18 {offsets = [0, 0], sizes = [2560, 256], strides = [1, 1]} : vector<2560x768xf32> to vector<2560x256xf32>
    %logistic3A = arith.negf %slice3A : vector<2560x256xf32>
    %logistic3A_19 = math.exp %logistic3A : vector<2560x256xf32>
    %logistic3A_20 = arith.constant 1.000000e+00 : f32
    %logistic3A_21 = vector.broadcast %logistic3A_20 : f32 to vector<2560x256xf32>
    %logistic3A_22 = arith.addf %logistic3A_21, %logistic3A_19 : vector<2560x256xf32>
    %logistic3A_23 = arith.divf %logistic3A_21, %logistic3A_22 : vector<2560x256xf32>
    %slice3A_24 = vector.extract_strided_slice %add3A_18 {offsets = [0, 256], sizes = [2560, 256], strides = [1, 1]} : vector<2560x768xf32> to vector<2560x256xf32>
    %logistic3A_25 = arith.negf %slice3A_24 : vector<2560x256xf32>
    %logistic3A_26 = math.exp %logistic3A_25 : vector<2560x256xf32>
    %logistic3A_27 = arith.constant 1.000000e+00 : f32
    %logistic3A_28 = vector.broadcast %logistic3A_27 : f32 to vector<2560x256xf32>
    %logistic3A_29 = arith.addf %logistic3A_28, %logistic3A_26 : vector<2560x256xf32>
    %logistic3A_30 = arith.divf %logistic3A_28, %logistic3A_29 : vector<2560x256xf32>
    %slice3A_31 = vector.extract_strided_slice %add3A_18 {offsets = [0, 512], sizes = [2560, 256], strides = [1, 1]} : vector<2560x768xf32> to vector<2560x256xf32>
    %tanh3A = math.tanh %slice3A_31 : vector<2560x256xf32>
    %mul3A = arith.mulf %logistic3A_23, %tanh3A : vector<2560x256xf32>
    %get3A_32 = arith.constant 0 : index
    %get3A_33 = arith.constant 0 : index
    %get3A_34 = vector.load %arg3[%get3A_32, %get3A_33] : memref<2560x256xf32, #tpu.memory_space<vmem>>, vector<2560x256xf32>
    %add3A_35 = arith.addf %mul3A, %get3A_34 : vector<2560x256xf32>
    %tanh3A_36 = math.tanh %add3A_35 : vector<2560x256xf32>
    %mul3A_37 = arith.mulf %logistic3A_30, %tanh3A_36 : vector<2560x256xf32>
    %swap3A = arith.constant 0 : index
    %swap3A_38 = arith.constant 0 : index
    %swap3A_39 = vector.load %arg7[%swap3A, %swap3A_38] : memref<2560x256xf32, #tpu.memory_space<vmem>>, vector<2560x256xf32>
    tpu.vector_store %arg7[%swap3A, %swap3A_38], %mul3A_37 {strides = array<i32>} : memref<2560x256xf32, #tpu.memory_space<vmem>>, vector<2560x256xf32>,
    %swap3A_40 = arith.constant 0 : index
    %swap3A_41 = arith.constant 0 : index
    %swap3A_42 = vector.load %arg8[%swap3A_40, %swap3A_41] : memref<2560x256xf32, #tpu.memory_space<vmem>>, vector<2560x256xf32>
    tpu.vector_store %arg8[%swap3A_40, %swap3A_41], %add3A_35 {strides = array<i32>} : memref<2560x256xf32, #tpu.memory_space<vmem>>, vector<2560x256xf32>,
    return
  }
  func.func @transform_0(%arg0: i32) -> (i32, i32) {
    %c0_i32 = arith.constant 0 : i32
    %c0_i32_0 = arith.constant 0 : i32
    return %arg0, %c0_i32 : i32, i32
  }
  func.func @transform_1(%arg0: i32) -> (i32, i32) {
    %c0_i32 = arith.constant 0 : i32
    %c0_i32_0 = arith.constant 0 : i32
    return %arg0, %c0_i32 : i32, i32
  }
  func.func @transform_2(%arg0: i32) -> (i32, i32) {
    %c0_i32 = arith.constant 0 : i32
    %c0_i32_0 = arith.constant 0 : i32
    return %arg0, %c0_i32 : i32, i32
  }
  func.func @transform_3(%arg0: i32) -> (i32, i32) {
    %c0_i32 = arith.constant 0 : i32
    %c0_i32_0 = arith.constant 0 : i32
    %c0_i32_1 = arith.constant 0 : i32
    return %c0_i32, %c0_i32_0 : i32, i32
  }
  func.func @transform_4(%arg0: i32) -> (i32, i32) {
    %c0_i32 = arith.constant 0 : i32
    %c0_i32_0 = arith.constant 0 : i32
    %c0_i32_1 = arith.constant 0 : i32
    return %c0_i32, %c0_i32_0 : i32, i32
  }
  func.func @transform_5(%arg0: i32) -> (i32, i32) {
    %c0_i32 = arith.constant 0 : i32
    %c0_i32_0 = arith.constant 0 : i32
    %c0_i32_1 = arith.constant 0 : i32
    return %c0_i32, %c0_i32_0 : i32, i32
  }
  func.func @transform_6(%arg0: i32) -> (i32, i32) {
    %c0_i32 = arith.constant 0 : i32
    %c0_i32_0 = arith.constant 0 : i32
    return %arg0, %c0_i32 : i32, i32
  }
  func.func @transform_7(%arg0: i32) -> (i32, i32) {
    %c0_i32 = arith.constant 0 : i32
    %c0_i32_0 = arith.constant 0 : i32
    return %arg0, %c0_i32 : i32, i32
  }
}

</mosaic_0001>

<sc_bundles>
// kernel: kernel.5.cloned.1.call-start
scs
__scs_entry_jumppad:
0x0: {  	(pc) =	sbr.rel $0x88, $3  }
0x1: {  	(tag) =	ssettag $0x0;
	lr =	simm.s32 $0x1  }
0x2: {  	[smem:$0x3F98] =	sst lr;
	_ =	strace $0xD0000000  }
0x3: {  	_ = 	snop  }
0x4: {  	_ = 	snop  }
0x5: {  	_ = 	snop  }
0x6: {  	_ = 	snop  }
0x7: {  	_ = 	snop  }
__scs_overlays_trampoline_lowered:
0x8: {  	[smem:$0x3FA7] =	sst s0  }
0x9: {  	[smem:$0x3FA8] =	sst s1  }
0xa: {  	[smem:$0x3FA9] =	sst s2  }
0xb: {  	[smem:$0x3FAA] =	sst s3  }
0xc: {  	[smem:$0x3FAB] =	sst s4  }
0xd: {  	[smem:$0x3FAC] =	sst s5  }
0xe: {  	[smem:$0x3FAD] =	sst s6  }
0xf: {  	[smem:$0x3FAE] =	sst s7  }
0x10: {  	[smem:$0x3FAF] =	sst s8  }
0x11: {  	[smem:$0x3FB0] =	sst s9;
	s0 =	simm.s32 @!p0 $0x0  }
0x12: {  	s1 =	sld [smem:$0x3F96];
	s0 =	simm.s32 @p0 $0x1  }
0x13: {  	[smem:$0x3FB1] =	sst s0;
	s0 =	simm.s32 @!p1 $0x0  }
0x14: {  	s2 =	sld [smem:$0x3F95];
	s0 =	simm.s32 @p1 $0x1  }
0x15: {  	[smem:$0x3FB2] =	sst s0;
	s0 =	simm.s32 @!p2 $0x0  }
0x16: {  	s3 =	sld [smem:$0x3FDB];
	s0 =	simm.s32 @p2 $0x1  }
0x17: {  	s4 =	simm.s32 $0x1BF5;
	[smem:$0x3FB4] =	sst s0  }
0x18: {  	s0 =	sld [smem:$0x3F97];
	_ =	swait.ge [sflag:s4], $0x0  }
0x19: {  	s7 =	sld [smem:$0x3F98]  }
0x1a: {  	s8 =	sadd.s32 $0xFFFFE003, lr  }
0x1b: {  	s9 =	sadd.s32 $0xFFFFFEF7, lr;
	s5 =	simm.s32 $0xFFFFFFFF;
	p2 =	slt.u32 s8, $0xFFFFF086  }
0x1c: {  	p1 =	slt.u32 s9, $0xF7A;
	s5 =	simm.s32 @!p2 $0x0  }
0x1d: {  	s5 =	simm.s32 @p1 $0x1;
	p0 =	seq.s32 s7, s2  }
0x1e: {  	s7 =	smul.u32 @!p0 $0xF7A, s2;
	p2 =	seq.s32 @!p0 s5, $0x0  }
0x1f: {  	s9 =	smul.u32 $0xF7A, s1;
	s8 =	simm.s32 @!p0 $0x1BF5;
	p2 =	por !p2, p0  }
0x20: {  	[sflag:s8] =	ssyncset.s32 @!p0 $0xFFFFF086;
	s6 =	sadd.s32 @!p0 s3, s7;
	s7 =	simm.s32 @!p0 $0x108  }
0x21: {  	s3 =	sadd.s32 s3, s9;
	s6 =	sadd.s32 @!p0 $0x88, s6;
	s7 =	simm.s32 @p2 $0x1082  }
0x22: {  	[simem:s7], [sflag:s8] =	dma.local @!p0 [hbm:s6], $0xF7A  }
0x23: {  	s9 =	sor.u32 $0xD0000000, s2;
	s6 =	simm.s32 $0x108;
	_ =	swait.ge @!p0 [sflag:s8], $0x0  }
0x24: {  	s3 =	sadd.s32 $0x88, s3;
	s6 =	simm.s32 @!p1 $0x1082;
	[sflag:s4] =	ssyncset.s32 $0xFFFFF086  }
0x25: {  	[simem:s6], [sflag:s4] =	dma.local [hbm:s3], $0xF7A  }
0x26: {  	[smem:$0x3F98] =	sst s1;
	(tag) =	ssettag s2;
	_ =	strace s9  }
0x27: {  	s1 =	sld [smem:$0x3FA8]  }
0x28: {  	s2 =	sld [smem:$0x3FA9]  }
0x29: {  	s4 =	sld [smem:$0x3FAB]  }
0x2a: {  	p0 =	seq.s32 s5, $0x0;
	s5 =	sld [smem:$0x3FAC]  }
0x2b: {  	s6 =	sld [smem:$0x3FAD]  }
0x2c: {  	s7 =	sld [smem:$0x3FAE]  }
0x2d: {  	s3 =	simm.s32 $0x108;
	s8 =	sld [smem:$0x3FAF]  }
0x2e: {  	s3 =	simm.s32 @!p0 $0x1082;
	s9 =	sld [smem:$0x3FB0]  }
0x2f: {  	lr =	sadd.s32 s0, s3;
	s0 =	sld [smem:$0x3FA7]  }
0x30: {  	s3 =	sld [smem:$0x3FAA]  }
0x31: {  	[smem:$0x3FB3] =	sst s10  }
0x32: {  	s10 =	sld [smem:$0x3FB1];
	_ =	sdelay $0x3  }
0x33: {  	p0 =	seq.s32 s10, $0x1;
	s10 =	sld [smem:$0x3FB3];
	_ =	sdelay $0x3  }
0x34: {  	[smem:$0x3FB3] =	sst s10  }
0x35: {  	s10 =	sld [smem:$0x3FB2];
	_ =	sdelay $0x3  }
0x36: {  	p1 =	seq.s32 s10, $0x1;
	s10 =	sld [smem:$0x3FB3];
	_ =	sdelay $0x3  }
0x37: {  	[smem:$0x3FB3] =	sst s10  }
0x38: {  	s10 =	sld [smem:$0x3FB4]  }
0x39: {  	_ = 	snop;
	(pc) =	sbr.ind lr, $3  }
0x3a: {  	_ = 	snop  }
0x3b: {  	_ = 	snop  }
0x3c: {  	p2 =	seq.s32 s10, $0x1;
	s10 =	sld [smem:$0x3FB3]  }
0x3d: {  	_ =	shalt  }
0x3e: {  	_ =	shalt  }
0x3f: {  	_ =	shalt  }
0x40: {  	_ =	shalt  }
0x41: {  	_ =	shalt  }
0x42: {  	_ =	shalt  }
0x43: {  	_ =	shalt  }
0x44: {  	_ =	shalt  }
0x45: {  	_ =	shalt  }
0x46: {  	_ =	shalt  }
0x47: {  	_ =	shalt  }
0x48: {  	_ =	shalt  }
0x49: {  	_ =	shalt  }
0x4a: {  	_ =	shalt  }
0x4b: {  	_ =	shalt  }
0x4c: {  	_ =	shalt  }
0x4d: {  	_ =	shalt  }
0x4e: {  	_ =	shalt  }
0x4f: {  	_ =	shalt  }
0x50: {  	_ =	shalt  }
0x51: {  	_ =	shalt  }
0x52: {  	_ =	shalt  }
0x53: {  	_ =	shalt  }
0x54: {  	_ =	shalt  }
0x55: {  	_ =	shalt  }
0x56: {  	_ =	shalt  }
0x57: {  	_ =	shalt  }
0x58: {  	_ =	shalt  }
0x59: {  	_ =	shalt  }
0x5a: {  	_ =	shalt  }
0x5b: {  	_ =	shalt  }
0x5c: {  	_ =	shalt  }
0x5d: {  	_ =	shalt  }
0x5e: {  	_ =	shalt  }
0x5f: {  	_ =	shalt  }
0x60: {  	_ =	shalt  }
0x61: {  	_ =	shalt  }
0x62: {  	_ =	shalt  }
0x63: {  	_ =	shalt  }
0x64: {  	_ =	shalt  }
0x65: {  	_ =	shalt  }
0x66: {  	_ =	shalt  }
0x67: {  	_ =	shalt  }
0x68: {  	_ =	shalt  }
0x69: {  	_ =	shalt  }
0x6a: {  	_ =	shalt  }
0x6b: {  	_ =	shalt  }
0x6c: {  	_ =	shalt  }
0x6d: {  	_ =	shalt  }
0x6e: {  	_ =	shalt  }
0x6f: {  	_ =	shalt  }
0x70: {  	_ =	shalt  }
0x71: {  	_ =	shalt  }
0x72: {  	_ =	shalt  }
0x73: {  	_ =	shalt  }
0x74: {  	_ =	shalt  }
0x75: {  	_ =	shalt  }
0x76: {  	_ =	shalt  }
0x77: {  	_ =	shalt  }
0x78: {  	_ =	shalt  }
0x79: {  	_ =	shalt  }
0x7a: {  	_ =	shalt  }
0x7b: {  	_ =	shalt  }
0x7c: {  	_ =	shalt  }
0x7d: {  	_ =	shalt  }
0x7e: {  	_ =	shalt  }
0x7f: {  	_ =	shalt  }
0x80: {  	_ =	shalt  }
0x81: {  	_ =	shalt  }
0x82: {  	_ =	shalt  }
0x83: {  	_ =	shalt  }
0x84: {  	_ =	shalt  }
0x85: {  	_ =	shalt  }
0x86: {  	_ =	shalt  }
0x87: {  	_ =	shalt  }
.Lfunc_end0:
.L_simem_size_0:
called_computation_lowered:
.L_overlay_start_0:
0x88: {  	s2 =	sld [smem:$0x3FD9]  }
0x89: {  	s3 =	sld [smem:$0x3FFE];
	_ =	sdelay $0x1  }
0x8a: {  	s1 =	srdreg.scid  }
0x8b: {  	s0 =	sand.u32 $0x1, s1  }
0x8c: {  	s14 =	sshll.u32 s0, $0xA;
	s2 =	sadd.s32 s3, s2  }
0x8d: {  	s2 =	sadd.s32 s2, s14  }
0x8e: {  	[smem:$0x3FBF] =	sst s2  }
0x8f: {  	_ = 	snop  }
0x90: {  	s2 =	sld [smem:$0x3FD0];
	_ =	sdelay $0x2  }
0x91: {  	s15 =	simm.s32 $0xA;
	s4 =	simm.s32 $0x10  }
0x92: {  	[smem:s4], [sflag:s15] =	dma.local [hbm:s2], $0x1  }
0x93: {  	_ =	swait.eq [sflag:s15], $0x1  }
0x94: {  	[sflag:s15] =	ssyncset.done $0x0  }
0x95: {  	s16 =	sld [smem:$0x10];
	[sflag:s15] =	ssyncadd.s32 $0xFFFFFFFF  }
0x96: {  	s17 =	sld [smem:$0x11];
	(tm) =	ssettm $0x1  }
0x97: {  	s18 =	sld [smem:$0x3FFB];
	_ =	sdelay $0x3  }
0x98: {  	_ =	strace s18  }
0x99: {  	s4 =	sld [smem:$0x3FFC];
	_ =	sdelay $0x3  }
0x9a: {  	_ =	strace s4  }
0x9b: {  	s4 =	sld [smem:$0x3FFD];
	_ =	sdelay $0x3  }
0x9c: {  	_ =	strace s4  }
0x9d: {  	_ =	strace $0x8FFFFFFF  }
0x9e: {  	s19 =	sld [smem:$0x3FDB];
	_ =	sdelay $0x1  }
0x9f: {  	s5 =	simm.s32 $_scs_section_size  }
0xa0: {  	s6 =	simm.s32 $_size__tile_overlayer_lowered;
	s7 =	simm.s32 $_tile_overlayer_lowered  }
0xa1: {  	s22 =	simm.s32 $0x1BFF;
	s21 =	sshll.u32 s7, $0x1;
	s4 =	sadd.s32 s5, s19  }
0xa2: {  	s8 =	simm.s32 $0x0;
	s20 =	sshll.u32 s6, $0x1;
	s6 =	sadd.s32 s21, s4  }
0xa3: {  	[timem:s8], [sflag:s22] =	dma.local [hbm:s6], s20  }
0xa4: {  	_ =	swait.ge [sflag:s22], s20  }
0xa5: {  	s5 =	ssub.s32 $0x0, s20;
	[sflag:s22] =	ssyncset.done $0x0  }
0xa6: {  	[sflag:s22] =	ssyncadd.s32 s5;
	_ =	sdelay $0x1  }
0xa7: {  	s23 =	simm.s32 $0x1B8B  }
0xa8: {  	_ =	swait.ge [sflag:s23], $0x1  }
0xa9: {  	[sflag:s23] =	ssyncset.done $0x0  }
0xaa: {  	s25 =	simm.s32 $0x1B8E;
	s24 =	sld [smem:$0x3FFE];
	[sflag:s23] =	ssyncadd.s32 $0xFFFFFFFF  }
0xab: {  	s26 =	simm.s32 $execute0_lowered;
	[smem:$0x3FD2] =	sst s25  }
0xac: {  	s6 =	sshll.u32 s26, $0x1;
	_ =	strace $0x80000046;
	[dreg:$0x1] =	wrdreg $0xFFFFFFFF  }
0xad: {  	s28 =	simm.s32 $_size_execute0_lowered;
	s4 =	sadd.s32 s4, s6;
	[dreg:$0x0] =	wrdreg $0x0  }
0xae: {  	s6 =	sshll.u32 s28, $0x1;
	[dreg:$0x2] =	wrdreg s4  }
0xaf: {  	[dreg:$0x3] =	wrdreg s6  }
0xb0: {  	[dreg:$0x4] =	wrdreg $0xC0  }
0xb1: {  	_ =	task [dreg:s8], $0x5FFFF  }
0xb2: {  	[dreg:$0x1] =	wrdreg $0xFFFFFFFF  }
0xb3: {  	[dreg:$0x0] =	wrdreg $0x60  }
0xb4: {  	[dreg:$0x2] =	wrdreg s16  }
0xb5: {  	[dreg:$0x3] =	wrdreg s17  }
0xb6: {  	[dreg:$0x4] =	wrdreg s24  }
0xb7: {  	[dreg:$0x5] =	wrdreg $0x90000  }
0xb8: {  	[dreg:$0x6] =	wrdreg $0x9  }
0xb9: {  	_ =	task.clear_ibuf [dreg:s8], $0x7FFFF;
	_ =	strace $0x90000046  }
0xba: {  	s29 =	simm.s32 $0x9;
	_ =	strace $0x80000048  }
0xbb: {  	_ =	swait.ge [sflag:s29], $0x1  }
0xbc: {  	[sflag:s29] =	ssyncadd.s32 $0xFFFFFFFF  }
0xbd: {  	_ =	strace $0x90000048  }
0xbe: {  	_ =	sfence  }
0xbf: {  	s30 =	sld [smem:$0x0];
	_ =	sdelay $0x2  }
0xc0: {  	s31 =	sshll.u32 s1, $0xD;
	s1 =	sshrl.u32 s1, $0x2  }
0xc1: {  	s3 =	sand.u32 $0x4000, s31;
	s1 =	sadd.s32 s1, s30  }
0xc2: {  	s0 =	sor.u32 s3, s0;
	s1 =	sshll.u32 s1, $0x11  }
0xc3: {  	s0 =	sor.u32 s1, s0  }
0xc4: {  	s0 =	sadd.s32 $0x8F2B, s0  }
0xc5: {  	[sflag:s0] =	ssyncadd.remote.s32 $0x1  }
0xc6: {  	_ =	sfence.sel $0xFFFF  }
0xc7: {  	[dreg:$0x0] =	wrdreg $0xFFFFFFFF;
	(pc) =	sbr.abs _section_cstart, $3  }
0xc8: {  	[dreg:$0x1] =	wrdreg $0xFFFFFFFF  }
0xc9: {  	_ =	task.clear_ibuf [dreg:s8], $0x2FFFF;
	_ =	strace $0x9FFFFFFF  }
0xca: {  	(tm) =	ssettm $0x7FFFFFFF  }
0xcb: {  	_ =	shalt  }
tec
execute0_lowered:
.L_overlay_start_1:
0x0: {  	(tag) =	ssettag $0x1  }
0x1: {  	s1 =	rddreg [dreg:$0x0]  }
0x2: {  	s2 =	rddreg [dreg:$0x1]  }
0x3: {  	s8 =	rddreg [dreg:$0x2]  }
0x4: {  	s4 =	rddreg [dreg:$0x3]  }
0x5: {  	s0 =	rddreg [dreg:$0x4]  }
0x6: {  	s5 =	simm.s32 $0x0;
	s3 =	stileid.u32;
	s10 =	srdreg.scid  }
0x7: {  	s18 =	simm.s32 $0x2800;
	s21 =	simm.s32 $0x80;
	s22 =	simm.s32 $0x5000  }
0x8: {  	s23 =	simm.s32 $0x1;
	s24 =	simm.s32 $0x0;
	s9 =	smul.u32 $0x500, s3  }
0x9: {  	[smem:$0x7FF] =	sst s5;
	s6 =	sadd.s32 $0x1C00, s8;
	s15 =	smul.u32 $0x14000, s3  }
0xa: {  	s7 =	sadd.s32 $0x29C00, s8;
	s12 =	sand.u32 $0x1, s10;
	s31 =	smul.u32 $0x50000, s3  }
0xb: {  	s19 =	sshll.u32 s3, $0x6;
	_ =	strace $0x80000047;
	s30 =	ssub.s32 $0x2, s12  }
0xc: {  	p0 =	seq.s32 s12, $0x1;
	s19 =	sor.u32 $0x1C02, s19;
	s11 =	sadd.s32 s9, s8  }
0xd: {  	s13 =	sshrl.u32 s15, $0x3;
	s16 =	sshrl.u32 s30, $0x1;
	s17 =	sshrl.u32 s31, $0x2  }
.Ltmp0:
0xe: {  	s14 =	sadd.s32 s13, s8;
	s8 =	sadd.s32 $0x83C00, s8;
	(pc) =	sbr.rel .LBB2_1-.Ltmp0, $4  }
0xf: {  	s16 =	ssub.s32 s30, s16;
	s9 =	sadd.s32 $0x51C00, s11;
	s10 =	sadd.s32 $0x56C00, s11  }
0x10: {  	s20 =	sadd.s32 s17, s4;
	s17 =	simm.s32 $0x2;
	s11 =	sadd.s32 $0x5BC00, s14  }
0x11: {  	s12 =	sadd.s32 s8, s13;
	s13 =	sadd.s32 $0x140000, s15;
	s15 =	sadd.s32 $0x3C0000, s15  }
0x12: {  	s16 =	smax.u32 s16, $0x1;
	s20 =	sshrl.u32 s20, $0x3;
	s14 =	sadd.s32 $0x50000, s12  }
.LBB2_11:
0x13: {  	s25 =	sshra.s32 s25, $0x2;
	[sflag:s17] =	ssyncadd.s32 $0xFFFFC000  }
0x14: {  	[tilespmem:s22], [sflag:$0x1] =	stream.indirect.gather [hbm4b:s7+s21], $0x80, s25, s21, $0xb8;
	[tilespmem:$0x1D000] =	vst v63  }
0x15: {  	_ =	swait.ge [sflag:s23], $0x4000  }
0x16: {  	[sflag:s23] =	ssyncset.done $0x0  }
0x17: {  	s25 =	sadd.s32 $0x2800, s25;
	[sflag:s23] =	ssyncadd.s32 $0xFFFFC000  }
0x18: {  	[spmem:s4] =	stream.indirect.scatter.add.f32 [tilespmem:s22], [sflag:$0x2], $0x80, s25, s21, $0xb8;
	[tilespmem:$0x1D000] =	vst v63  }
0x19: {  	_ =	swait.ge [sflag:s17], $0x4000  }
0x1a: {  	[sflag:s17] =	ssyncset.done $0x0  }
0x1b: {  	s25 =	smov.u32 s15;
	[sflag:s17] =	ssyncadd.s32 $0xFFFFC000  }
.LBB2_12:
0x1c: {  	s24 =	sadd.s32 $0x1, s24  }
0x1d: {  	s25 =	sshrl.u32 s25, $0x3;
	p1 =	sne.s32 s24, s16  }
.Ltmp1:
0x1e: {  	[bflag:$0x0] =	sbarrier.arrive $0xFFFF;
	s25 =	sadd.s32 s8, s25;
	(pc) =	sbr.rel @!p1 .LBB2_13-.Ltmp1, $4  }
0x1f: {  	[hbm:s25], [sflag:s19] =	dma.local [spmem:s20], $0x2800  }
0x20: {  	_ =	swait.ge [sflag:s17], $0x2800  }
0x21: {  	[sflag:s17] =	ssyncset.done $0x0  }
0x22: {  	[sflag:s17] =	ssyncadd.s32 $0xFFFFD800  }
.LBB2_1:
0x23: {  	[tilespmem:s5], [sflag:$0x2] =	stream.linear.gather [hbm4b:s9+s5], $0x2780, $0x38;
	[tilespmem:$0x1D000] =	vst v63  }
0x24: {  	_ =	swait.ge [sflag:s17], $0x2780  }
0x25: {  	[sflag:s17] =	ssyncset.done $0x0  }
0x26: {  	[sflag:s17] =	ssyncadd.s32 $0xFFFFD880  }
0x27: {  	[tilespmem:s18], [sflag:$0x2] =	stream.linear.gather [hbm4b:s10+s5], $0x2780, $0x38;
	[tilespmem:$0x1D000] =	vst v63  }
0x28: {  	_ =	swait.ge [sflag:s17], $0x2780  }
0x29: {  	[sflag:s17] =	ssyncset.done $0x0  }
0x2a: {  	[sflag:s17] =	ssyncadd.s32 $0xFFFFD880  }
0x2b: {  	[spmem:s20], [sflag:s19] =	dma.local [hbm:s11], $0x2800  }
.Ltmp2:
0x2c: {  	_ =	swait.ge [sflag:s17], $0x2800;
	(pc) =	sbr.rel @!p0 .LBB2_2-.Ltmp2, $4  }
0x2d: {  	[sflag:s17] =	ssyncset.done $0x0  }
0x2e: {  	[sflag:s17] =	ssyncadd.s32 $0xFFFFD800  }
0x2f: {  	[bflag:$0x0] =	sbarrier.arrive $0xFFFF  }
0x30: {  	s25 =	simm.s32 $0x0  }
0x31: {  	[tilespmem:s22], [sflag:$0x1] =	stream.indirect.gather [hbm4b:s6+s21], $0x80, s25, s21, $0xb8;
	[tilespmem:$0x1D000] =	vst v63  }
0x32: {  	_ =	swait.ge [sflag:s23], $0x4000  }
0x33: {  	[sflag:s23] =	ssyncset.done $0x0  }
0x34: {  	s31 =	simm.s32 $0x2800;
	[sflag:s23] =	ssyncadd.s32 $0xFFFFC000  }
0x35: {  	[spmem:s4] =	stream.indirect.scatter.add.f32 [tilespmem:s22], [sflag:$0x2], $0x80, s31, s21, $0xb8;
	[tilespmem:$0x1D000] =	vst v63  }
0x36: {  	_ =	swait.ge [sflag:s17], $0x4000  }
0x37: {  	s25 =	simm.s32 $0x200;
	s26 =	simm.s32 $0x400;
	[sflag:s17] =	ssyncset.done $0x0  }
.LBB2_8:
0x38: {  	s28 =	sshra.s32 s25, $0x2  }
0x39: {  	[sflag:s17] =	ssyncadd.s32 $0xFFFFC000;
	s25 =	smov.u32 s26;
	s29 =	sadd.s32 $0x200, s26  }
0x3a: {  	[tilespmem:s22], [sflag:$0x1] =	stream.indirect.gather [hbm4b:s6+s21], $0x80, s28, s21, $0xb8;
	[tilespmem:$0x1D000] =	vst v63  }
0x3b: {  	p1 =	sne.s32 s26, $0x9C00;
	_ =	swait.ge [sflag:s23], $0x4000  }
.Ltmp3:
0x3c: {  	[sflag:s23] =	ssyncset.done $0x0;
	(pc) =	sbr.rel @p1 .LBB2_8-.Ltmp3, $4  }
0x3d: {  	s26 =	sadd.s32 $0x2800, s28;
	[sflag:s23] =	ssyncadd.s32 $0xFFFFC000  }
0x3e: {  	[spmem:s4] =	stream.indirect.scatter.add.f32 [tilespmem:s22], [sflag:$0x2], $0x80, s26, s21, $0xb8;
	[tilespmem:$0x1D000] =	vst v63  }
0x3f: {  	_ =	swait.ge [sflag:s17], $0x4000  }
0x40: {  	s26 =	smov.u32 s29;
	[sflag:s17] =	ssyncset.done $0x0  }
0x41: {  	s25 =	sshra.s32 s25, $0x2;
	[sflag:s17] =	ssyncadd.s32 $0xFFFFC000  }
0x42: {  	[tilespmem:s22], [sflag:$0x1] =	stream.indirect.gather [hbm4b:s6+s21], $0x80, s25, s21, $0xb8;
	[tilespmem:$0x1D000] =	vst v63  }
0x43: {  	_ =	swait.ge [sflag:s23], $0x4000  }
0x44: {  	[sflag:s23] =	ssyncset.done $0x0  }
0x45: {  	s25 =	sadd.s32 $0x2800, s25;
	[sflag:s23] =	ssyncadd.s32 $0xFFFFC000  }
0x46: {  	[spmem:s4] =	stream.indirect.scatter.add.f32 [tilespmem:s22], [sflag:$0x2], $0x80, s25, s21, $0xb8;
	[tilespmem:$0x1D000] =	vst v63  }
0x47: {  	_ =	swait.ge [sflag:s17], $0x4000  }
0x48: {  	[sflag:s17] =	ssyncset.done $0x0  }
0x49: {  	[sflag:s17] =	ssyncadd.s32 $0xFFFFC000  }
0x4a: {  	[bflag:$0x0] =	sbarrier.arrive $0xFFFF  }
0x4b: {  	[hbm:s14], [sflag:s19] =	dma.local [spmem:s20], $0x2800  }
0x4c: {  	_ =	swait.ge [sflag:s17], $0x2800  }
0x4d: {  	[sflag:s17] =	ssyncset.done $0x0  }
0x4e: {  	[sflag:s17] =	ssyncadd.s32 $0xFFFFD800  }
0x4f: {  	[spmem:s20], [sflag:s19] =	dma.local [hbm:s11], $0x2800  }
0x50: {  	_ =	swait.ge [sflag:s17], $0x2800  }
0x51: {  	[sflag:s17] =	ssyncset.done $0x0  }
0x52: {  	[sflag:s17] =	ssyncadd.s32 $0xFFFFD800  }
0x53: {  	s30 =	simm.s32 $0x0;
	[bflag:$0x0] =	sbarrier.arrive $0xFFFF  }
0x54: {  	[tilespmem:s22], [sflag:$0x1] =	stream.indirect.gather [hbm4b:s7+s21], $0x80, s30, s21, $0xb8;
	[tilespmem:$0x1D000] =	vst v63  }
0x55: {  	_ =	swait.ge [sflag:s23], $0x4000  }
0x56: {  	[sflag:s23] =	ssyncset.done $0x0  }
0x57: {  	s31 =	simm.s32 $0x2800;
	[sflag:s23] =	ssyncadd.s32 $0xFFFFC000  }
0x58: {  	[spmem:s4] =	stream.indirect.scatter.add.f32 [tilespmem:s22], [sflag:$0x2], $0x80, s31, s21, $0xb8;
	[tilespmem:$0x1D000] =	vst v63  }
0x59: {  	_ =	swait.ge [sflag:s17], $0x4000  }
0x5a: {  	s26 =	simm.s32 $0x400;
	s25 =	simm.s32 $0x200;
	[sflag:s17] =	ssyncset.done $0x0  }
.LBB2_10:
0x5b: {  	s28 =	sshra.s32 s25, $0x2  }
0x5c: {  	[sflag:s17] =	ssyncadd.s32 $0xFFFFC000;
	s25 =	smov.u32 s26;
	s29 =	sadd.s32 $0x200, s26  }
0x5d: {  	[tilespmem:s22], [sflag:$0x1] =	stream.indirect.gather [hbm4b:s7+s21], $0x80, s28, s21, $0xb8;
	[tilespmem:$0x1D000] =	vst v63  }
0x5e: {  	p1 =	sne.s32 s26, $0x9C00;
	_ =	swait.ge [sflag:s23], $0x4000  }
.Ltmp4:
0x5f: {  	[sflag:s23] =	ssyncset.done $0x0;
	(pc) =	sbr.rel @p1 .LBB2_10-.Ltmp4, $4  }
0x60: {  	s26 =	sadd.s32 $0x2800, s28;
	[sflag:s23] =	ssyncadd.s32 $0xFFFFC000  }
0x61: {  	[spmem:s4] =	stream.indirect.scatter.add.f32 [tilespmem:s22], [sflag:$0x2], $0x80, s26, s21, $0xb8;
	[tilespmem:$0x1D000] =	vst v63  }
0x62: {  	_ =	swait.ge [sflag:s17], $0x4000  }
0x63: {  	s26 =	smov.u32 s29;
	[sflag:s17] =	ssyncset.done $0x0  }
.Ltmp5:
0x64: {  	_ = 	snop;
	(pc) =	sbr.rel .LBB2_11-.Ltmp5, $1  }
0x65: {  	_ =	sdelay $0x3  }
.LBB2_2:
0x66: {  	[tilespmem:s22], [sflag:$0x1] =	stream.indirect.gather [hbm4b:s1+s21], $0x80, s25, s21, $0xb8;
	[tilespmem:$0x1D000] =	vst v63  }
0x67: {  	_ =	swait.ge [sflag:s23], $0x4000  }
0x68: {  	[sflag:s23] =	ssyncset.done $0x0  }
0x69: {  	s31 =	simm.s32 $0x2800;
	[sflag:s23] =	ssyncadd.s32 $0xFFFFC000  }
0x6a: {  	[spmem:s4] =	stream.indirect.scatter.add.f32 [tilespmem:s22], [sflag:$0x2], $0x80, s31, s21, $0xb8;
	[tilespmem:$0x1D000] =	vst v63  }
0x6b: {  	_ =	swait.ge [sflag:s17], $0x4000  }
0x6c: {  	s25 =	simm.s32 $0x200;
	s26 =	simm.s32 $0x400;
	[sflag:s17] =	ssyncset.done $0x0  }
.LBB2_3:
0x6d: {  	s28 =	sshra.s32 s25, $0x2  }
0x6e: {  	[sflag:s17] =	ssyncadd.s32 $0xFFFFC000;
	s25 =	smov.u32 s26;
	s29 =	sadd.s32 $0x200, s26  }
0x6f: {  	[tilespmem:s22], [sflag:$0x1] =	stream.indirect.gather [hbm4b:s1+s21], $0x80, s28, s21, $0xb8;
	[tilespmem:$0x1D000] =	vst v63  }
0x70: {  	p1 =	sne.s32 s26, $0x9C00;
	_ =	swait.ge [sflag:s23], $0x4000  }
.Ltmp6:
0x71: {  	[sflag:s23] =	ssyncset.done $0x0;
	(pc) =	sbr.rel @p1 .LBB2_3-.Ltmp6, $4  }
0x72: {  	s26 =	sadd.s32 $0x2800, s28;
	[sflag:s23] =	ssyncadd.s32 $0xFFFFC000  }
0x73: {  	[spmem:s4] =	stream.indirect.scatter.add.f32 [tilespmem:s22], [sflag:$0x2], $0x80, s26, s21, $0xb8;
	[tilespmem:$0x1D000] =	vst v63  }
0x74: {  	_ =	swait.ge [sflag:s17], $0x4000  }
0x75: {  	s26 =	smov.u32 s29;
	[sflag:s17] =	ssyncset.done $0x0  }
0x76: {  	s25 =	sshra.s32 s25, $0x2;
	[sflag:s17] =	ssyncadd.s32 $0xFFFFC000  }
0x77: {  	[tilespmem:s22], [sflag:$0x1] =	stream.indirect.gather [hbm4b:s1+s21], $0x80, s25, s21, $0xb8;
	[tilespmem:$0x1D000] =	vst v63  }
0x78: {  	_ =	swait.ge [sflag:s23], $0x4000  }
0x79: {  	[sflag:s23] =	ssyncset.done $0x0  }
0x7a: {  	s25 =	sadd.s32 $0x2800, s25;
	[sflag:s23] =	ssyncadd.s32 $0xFFFFC000  }
0x7b: {  	[spmem:s4] =	stream.indirect.scatter.add.f32 [tilespmem:s22], [sflag:$0x2], $0x80, s25, s21, $0xb8;
	[tilespmem:$0x1D000] =	vst v63  }
0x7c: {  	_ =	swait.ge [sflag:s17], $0x4000  }
0x7d: {  	[sflag:s17] =	ssyncset.done $0x0  }
0x7e: {  	[sflag:s17] =	ssyncadd.s32 $0xFFFFC000  }
0x7f: {  	[bflag:$0x0] =	sbarrier.arrive $0xFFFF  }
0x80: {  	[hbm:s12], [sflag:s19] =	dma.local [spmem:s20], $0x2800  }
0x81: {  	_ =	swait.ge [sflag:s17], $0x2800  }
0x82: {  	[sflag:s17] =	ssyncset.done $0x0  }
0x83: {  	[sflag:s17] =	ssyncadd.s32 $0xFFFFD800  }
0x84: {  	[spmem:s20], [sflag:s19] =	dma.local [hbm:s11], $0x2800  }
0x85: {  	_ =	swait.ge [sflag:s17], $0x2800  }
0x86: {  	[sflag:s17] =	ssyncset.done $0x0  }
0x87: {  	[sflag:s17] =	ssyncadd.s32 $0xFFFFD800  }
0x88: {  	s30 =	simm.s32 $0x0;
	[bflag:$0x0] =	sbarrier.arrive $0xFFFF  }
0x89: {  	[tilespmem:s22], [sflag:$0x1] =	stream.indirect.gather [hbm4b:s2+s21], $0x80, s30, s21, $0xb8;
	[tilespmem:$0x1D000] =	vst v63  }
0x8a: {  	_ =	swait.ge [sflag:s23], $0x4000  }
0x8b: {  	[sflag:s23] =	ssyncset.done $0x0  }
0x8c: {  	s31 =	simm.s32 $0x2800;
	[sflag:s23] =	ssyncadd.s32 $0xFFFFC000  }
0x8d: {  	[spmem:s4] =	stream.indirect.scatter.add.f32 [tilespmem:s22], [sflag:$0x2], $0x80, s31, s21, $0xb8;
	[tilespmem:$0x1D000] =	vst v63  }
0x8e: {  	_ =	swait.ge [sflag:s17], $0x4000  }
0x8f: {  	s26 =	simm.s32 $0x400;
	s25 =	simm.s32 $0x200;
	[sflag:s17] =	ssyncset.done $0x0  }
.LBB2_5:
0x90: {  	s28 =	sshra.s32 s25, $0x2  }
0x91: {  	[sflag:s17] =	ssyncadd.s32 $0xFFFFC000;
	s25 =	smov.u32 s26;
	s29 =	sadd.s32 $0x200, s26  }
0x92: {  	[tilespmem:s22], [sflag:$0x1] =	stream.indirect.gather [hbm4b:s2+s21], $0x80, s28, s21, $0xb8;
	[tilespmem:$0x1D000] =	vst v63  }
0x93: {  	p1 =	seq.s32 s26, $0x9C00;
	_ =	swait.ge [sflag:s23], $0x4000  }
.Ltmp7:
0x94: {  	[sflag:s23] =	ssyncset.done $0x0;
	(pc) =	sbr.rel @!p1 .LBB2_5-.Ltmp7, $4  }
0x95: {  	s26 =	sadd.s32 $0x2800, s28;
	[sflag:s23] =	ssyncadd.s32 $0xFFFFC000  }
0x96: {  	[spmem:s4] =	stream.indirect.scatter.add.f32 [tilespmem:s22], [sflag:$0x2], $0x80, s26, s21, $0xb8;
	[tilespmem:$0x1D000] =	vst v63  }
0x97: {  	_ =	swait.ge [sflag:s17], $0x4000  }
0x98: {  	s26 =	smov.u32 s29;
	[sflag:s17] =	ssyncset.done $0x0  }
0x99: {  	s25 =	sshra.s32 s25, $0x2;
	[sflag:s17] =	ssyncadd.s32 $0xFFFFC000  }
0x9a: {  	[tilespmem:s22], [sflag:$0x1] =	stream.indirect.gather [hbm4b:s2+s21], $0x80, s25, s21, $0xb8;
	[tilespmem:$0x1D000] =	vst v63  }
0x9b: {  	_ =	swait.ge [sflag:s23], $0x4000  }
0x9c: {  	[sflag:s23] =	ssyncset.done $0x0  }
.Ltmp8:
0x9d: {  	s25 =	sadd.s32 $0x2800, s25;
	[sflag:s23] =	ssyncadd.s32 $0xFFFFC000;
	(pc) =	sbr.rel .LBB2_12-.Ltmp8, $4  }
0x9e: {  	[spmem:s4] =	stream.indirect.scatter.add.f32 [tilespmem:s22], [sflag:$0x2], $0x80, s25, s21, $0xb8;
	[tilespmem:$0x1D000] =	vst v63  }
0x9f: {  	_ =	swait.ge [sflag:s17], $0x4000  }
0xa0: {  	[sflag:s17] =	ssyncset.done $0x0  }
0xa1: {  	s25 =	smov.u32 s13;
	[sflag:s17] =	ssyncadd.s32 $0xFFFFC000  }
.LBB2_13:
0xa2: {  	_ =	sfence.sel $0x180000  }
0xa3: {  	[bflag:$0x0] =	sbarrier.arrive $0xFFFF  }
0xa4: {  	p0 =	sne.s32 s3, $0x0;
	_ =	strace $0x90000047  }
0xa5: {  	s0 =	sadd.s32 @!p0 $0x100000, s0;
	[bflag:$0x2] =	sbarrier.arrive $0xFFFF  }
0xa6: {  	[sflag:s0] =	ssyncadd.tile.s32 @!p0 $0x1;
	_ =	shalt  }
.Lfunc_end2:
_tile_overlayer_lowered:
.L_overlay_start_2:
0xa7: {  	(tag) =	ssettag $0x2  }
0xa8: {  	s0 =	rddreg [dreg:$0x0];
	s2 =	stileid.u32  }
0xa9: {  	s1 =	rddreg [dreg:$0x1];
	p0 =	sne.s32 s2, $0x0  }
0xaa: {  	s3 =	rddreg [dreg:$0x2];
	[bflag:$0x3] =	sbarrier.arrive $0xFFFF;
	s2 =	simm.s32 @!p0 $0x1C02  }
0xab: {  	[timem:s3], [sflag:s2] =	dma.local @!p0 [hbm:s0], s1  }
0xac: {  	s0 =	simm.s32 @!p0 $0x2  }
0xad: {  	_ =	swait.ge @!p0 [sflag:s0], s1  }
0xae: {  	s1 =	ssub.s32 @!p0 $0x0, s1;
	[sflag:s0] =	ssyncset.done @!p0 $0x0  }
0xaf: {  	[sflag:s0] =	ssyncadd.s32 @!p0 s1  }
0xb0: {  	[bflag:$0x3] =	sbarrier.arrive $0xFFFF  }
0xb1: {  	_ =	shalt  }

</sc_bundles>
